<compile_context>
chip_gen: v7x
topology: tpu7x:2x2x1
jax: 0.10.2.dev20260603
libtpu: 0.0.44.dev20260713+nightly
codegen_flags: <defaults>
</compile_context>

<pallas_src>
import functools

import jax
import jax.numpy as jnp
from jax import lax
from jax.experimental import pallas as pl
from jax.experimental.pallas import tpu as pltpu
from jax.experimental.pallas import tpu_sc as plsc

B = 4096
L = 200
V = 30522
D = 768
LANES = 16
DV = D // LANES

NC, NS = 2, 16
NW = NC * NS
ROWS_PER_W = B // NW
CHUNK_LEN = (56, 56, 48, 40)
CHUNK_OFF = (0, 56, 112, 160)
NCHUNK = len(CHUNK_LEN)
GROUPS = D // 32


V_PER_W = -(-V // NW)
CAST_CHUNK = 32
CAST_NCHUNK = -(-V_PER_W // CAST_CHUNK)


def _cast_body(table_hbm, out_hbm, bi0, bi1, bo0, bo1, si0, si1, so0, so1):
    bins, bouts = (bi0, bi1), (bo0, bo1)
    sin, sout = (si0, si1), (so0, so1)
    wid = lax.axis_index("s") * NC + lax.axis_index("c")
    row0 = wid * V_PER_W

    def src(g):
        r0 = jnp.minimum(row0 + g * CAST_CHUNK, V - CAST_CHUNK)
        return r0

    pltpu.async_copy(table_hbm.at[pl.ds(src(0), CAST_CHUNK)], bins[0], sin[0])

    @pl.loop(0, CAST_NCHUNK, step=2)
    def _(c):
        for p in range(2):
            g = c + p
            @pl.when(g + 1 < CAST_NCHUNK)
            def _():
                pltpu.async_copy(
                    table_hbm.at[pl.ds(src(g + 1), CAST_CHUNK)],
                    bins[1 - p], sin[1 - p])

            pltpu.make_async_copy(
                table_hbm.at[pl.ds(0, CAST_CHUNK)], bins[p], sin[p]).wait()

            @pl.when(g >= 2)
            def _():
                pltpu.make_async_copy(
                    bouts[p], out_hbm.at[pl.ds(0, CAST_CHUNK)],
                    sout[p]).wait()

            def conv_row(j, carry2, _bi=bins[p], _bo=bouts[p]):
                for gg in range(GROUPS):
                    x0 = _bi[j, pl.ds(gg * 32, LANES)]
                    x1 = _bi[j, pl.ds(gg * 32 + LANES, LANES)]
                    _bo[j, pl.ds(gg * 32, 32)] = plsc.pack(
                        x0, x1, format=plsc.PackFormat.INTERLEAVED)
                return carry2

            lax.fori_loop(0, CAST_CHUNK, conv_row, 0)
            pltpu.async_copy(bouts[p], out_hbm.at[pl.ds(src(g), CAST_CHUNK)],
                             sout[p])

    for p in range(2):
        pltpu.make_async_copy(
            bouts[p], out_hbm.at[pl.ds(0, CAST_CHUNK)], sout[p]).wait()


@jax.jit
def _sc_cast(table):
    mesh = plsc.VectorSubcoreMesh(core_axis_name="c", subcore_axis_name="s")
    f = pl.kernel(
        _cast_body,
        out_type=jax.ShapeDtypeStruct((V, D), jnp.bfloat16),
        mesh=mesh,
        scratch_types=[
            pltpu.VMEM((CAST_CHUNK, D), jnp.float32),
            pltpu.VMEM((CAST_CHUNK, D), jnp.float32),
            pltpu.VMEM((CAST_CHUNK, D), jnp.bfloat16),
            pltpu.VMEM((CAST_CHUNK, D), jnp.bfloat16),
            pltpu.SemaphoreType.DMA,
            pltpu.SemaphoreType.DMA,
            pltpu.SemaphoreType.DMA,
            pltpu.SemaphoreType.DMA,
        ],
        compiler_params=pltpu.CompilerParams(
            use_tc_tiling_on_sc=False, needs_layout_passes=False),
    )
    return f(table)


def _pool_body(ids_hbm, table_hbm, out_hbm, ids_v, b0, b1, b2, b3,
               orow_v, s0, s1, s2, s3):
    bufs = (b0, b1, b2, b3)
    sems = (s0, s1, s2, s3)
    wid = lax.axis_index("s") * NC + lax.axis_index("c")
    base = wid * ROWS_PER_W
    pltpu.sync_copy(ids_hbm.at[pl.ds(base, ROWS_PER_W)], ids_v)

    def fire(r, c):
        idx = ids_v.at[r, pl.ds(CHUNK_OFF[c], CHUNK_LEN[c])]
        pltpu.async_copy(table_hbm.at[idx], bufs[c], sems[c])

    for c in range(NCHUNK):
        fire(0, c)

    def row_body(r, carry):
        acc = tuple(jnp.zeros((LANES,), jnp.float32) for _ in range(DV))
        for c in range(NCHUNK):
            pltpu.make_async_copy(
                table_hbm.at[pl.ds(0, CHUNK_LEN[c])],
                bufs[c], sems[c]).wait()

            def chunk_body(j, accs, _buf=bufs[c]):
                new = []
                for g in range(GROUPS):
                    u = plsc.bitcast(_buf[j, pl.ds(g * 32, 32)], jnp.int32)
                    fe = plsc.bitcast(u << 16, jnp.float32)
                    fo = plsc.bitcast(u, jnp.float32)
                    new.append(accs[2 * g] + fe)
                    new.append(accs[2 * g + 1] + fo)
                return tuple(new)

            acc = lax.fori_loop(0, CHUNK_LEN[c], chunk_body, acc)

            @pl.when(r + 1 < ROWS_PER_W)
            def _():
                fire(r + 1, c)

        inv = jnp.float32(1.0 / L)
        for g in range(GROUPS):
            orow_v[pl.ds(g * 32, LANES)] = acc[2 * g] * inv
            orow_v[pl.ds(g * 32 + LANES, LANES)] = acc[2 * g + 1] * inv
        pltpu.sync_copy(orow_v, out_hbm.at[base + r])
        return carry

    lax.fori_loop(0, ROWS_PER_W, row_body, 0)


@functools.partial(jax.jit, donate_argnums=())
def _sc_pool(input_ids, table_bf16):
    mesh = plsc.VectorSubcoreMesh(core_axis_name="c", subcore_axis_name="s")
    f = pl.kernel(
        _pool_body,
        out_type=jax.ShapeDtypeStruct((B, D), jnp.float32),
        mesh=mesh,
        scratch_types=[
            pltpu.VMEM((ROWS_PER_W, L), jnp.int32),
            pltpu.VMEM((CHUNK_LEN[0], D), jnp.bfloat16),
            pltpu.VMEM((CHUNK_LEN[1], D), jnp.bfloat16),
            pltpu.VMEM((CHUNK_LEN[2], D), jnp.bfloat16),
            pltpu.VMEM((CHUNK_LEN[3], D), jnp.bfloat16),
            pltpu.VMEM((D,), jnp.float32),
            pltpu.SemaphoreType.DMA,
            pltpu.SemaphoreType.DMA,
            pltpu.SemaphoreType.DMA,
            pltpu.SemaphoreType.DMA,
        ],
        compiler_params=pltpu.CompilerParams(
            use_tc_tiling_on_sc=False, needs_layout_passes=False),
    )
    return f(input_ids, table_bf16)


def _head_body(x_ref, pw_ref, pb_ref, cw_ref, cb_ref, o_ref):
    x = x_ref[...]
    h = jnp.tanh(
        jnp.dot(x, pw_ref[...], preferred_element_type=jnp.float32)
        + pb_ref[...]
    )
    o_ref[...] = (
        jnp.dot(h, cw_ref[...], preferred_element_type=jnp.float32)
        + cb_ref[...]
    )


def _tc_head(pooled, pooler_w, pooler_b, cls_w, cls_b):
    cw = jnp.pad(cls_w, ((0, 0), (0, 128 - cls_w.shape[1])))
    cb = jnp.pad(cls_b, (0, 128 - cls_b.shape[0])).reshape(1, 128)
    pb = pooler_b.reshape(1, D)
    out = pl.pallas_call(
        _head_body,
        grid=(B // 512,),
        in_specs=[
            pl.BlockSpec((512, D), lambda i: (i, 0)),
            pl.BlockSpec((D, D), lambda i: (0, 0)),
            pl.BlockSpec((1, D), lambda i: (0, 0)),
            pl.BlockSpec((D, 128), lambda i: (0, 0)),
            pl.BlockSpec((1, 128), lambda i: (0, 0)),
        ],
        out_specs=pl.BlockSpec((512, 128), lambda i: (i, 0)),
        out_shape=jax.ShapeDtypeStruct((B, 128), jnp.float32),
    )(pooled, pooler_w, pb, cw, cb)
    return out[:, : cls_w.shape[1]]


def kernel(input_ids, table, pooler_w, pooler_b, cls_w, cls_b):
    pooled = _sc_pool(input_ids.astype(jnp.int32), _sc_cast(table))
    return _tc_head(pooled, pooler_w, pooler_b, cls_w, cls_b)

# --- scband reference (transcript-rebuilt; emitter-appended) ---
"""Pipeline reference for scband-my-model-61933428414755 (READ-ONLY COPY).

The authoritative reference and input builder live on the scoring server;
editing this copy changes nothing except your own understanding.
"""

import jax, jax.numpy as jnp
import numpy as np

VOCAB = 30522
DIM = 768
NUM_CLASSES = 2


def setup_inputs(seed: int = 0) -> dict:
    key = jax.random.key(seed)
    k1, k2, k3, k4, k5, k6 = jax.random.split(key, 6)
    input_ids = jax.random.randint(k1, (4096, 200), 0, VOCAB, dtype=jnp.int64 if jax.config.jax_enable_x64 else jnp.int32)
    table = jax.random.normal(k2, (VOCAB, DIM), dtype=jnp.float32) * 0.02
    pooler_w = jax.random.normal(k3, (DIM, DIM), dtype=jnp.float32) * 0.02
    pooler_b = jax.random.normal(k4, (DIM,), dtype=jnp.float32) * 0.02
    cls_w = jax.random.normal(k5, (DIM, NUM_CLASSES), dtype=jnp.float32) * 0.02
    cls_b = jax.random.normal(k6, (NUM_CLASSES,), dtype=jnp.float32) * 0.02
    return {
        "input_ids": input_ids,
        "table": table,
        "pooler_w": pooler_w,
        "pooler_b": pooler_b,
        "cls_w": cls_w,
        "cls_b": cls_b,
    }


def reference(input_ids, table, pooler_w, pooler_b, cls_w, cls_b):
    # embedding gather: [B, L, D]
    x = jnp.take(table, input_ids, axis=0)
    # mean pool over sequence dim
    x = jnp.mean(x, axis=1)
    # pooler linear + tanh
    x = jnp.tanh(x @ pooler_w + pooler_b)
    # classifier
    return x @ cls_w + cls_b

if __name__ == "__main__":
    import jax
    _d = setup_inputs()
    print(jax.jit(kernel)(*tuple(_d.values())))

</pallas_src>

<mosaic_0001>
#map = affine_map<(d0, d1) -> (0, 0)>
module attributes {stable_mosaic.version = 14 : i64} {
  func.func @_cast_body(%arg0: i32, %arg1: i32, %arg2: memref<30522x768xf32, #tpu.memory_space<hbm>>, %arg3: memref<30522x768xbf16, #tpu.memory_space<hbm>>, %arg4: memref<32x768xf32, #tpu.memory_space<vmem>>, %arg5: memref<32x768xf32, #tpu.memory_space<vmem>>, %arg6: memref<32x768xbf16, #tpu.memory_space<vmem>>, %arg7: memref<32x768xbf16, #tpu.memory_space<vmem>>, %arg8: memref<!tpu.dma_semaphore, #tpu.memory_space<semaphore_mem>>, %arg9: memref<!tpu.dma_semaphore, #tpu.memory_space<semaphore_mem>>, %arg10: memref<!tpu.dma_semaphore, #tpu.memory_space<semaphore_mem>>, %arg11: memref<!tpu.dma_semaphore, #tpu.memory_space<semaphore_mem>>) attributes {dimension_semantics = [#tpu.dimension_semantics<core_parallel>, #tpu.dimension_semantics<subcore_parallel>], iteration_bounds = array<i64: 2, 16>, scalar_prefetch = 0 : i64, scratch_operands = 8 : i64, tpu.core_type = #tpu.core_type<sc_vector_subcore>, window_params = [{transform_indices = #map}, {transform_indices = #map}]} {
    %mul3A = arith.constant 2 : i32
    %mul3A_0 = arith.muli %arg1, %mul3A : i32
    %add3A = arith.addi %mul3A_0, %arg0 : i32
    %mul3A_1 = arith.constant 954 : i32
    %mul3A_2 = arith.muli %add3A, %mul3A_1 : i32
    %add3A_3 = arith.constant 0 : i32
    %add3A_4 = arith.addi %mul3A_2, %add3A_3 : i32
    %min3A = arith.constant 30490 : i32
    %min3A_5 = arith.minsi %add3A_4, %min3A : i32
    %dma_start3A = arith.constant 0 : i32
    %dma_start3A_6 = tpu.memref_slice %arg2[%min3A_5, %dma_start3A] : memref<30522x768xf32, #tpu.memory_space<hbm>> -> memref<32x768xf32, #tpu.memory_space<hbm>>
    %dma_start3A_7 = arith.constant 0 : i32
    %dma_start3A_8 = tpu.memref_slice %arg2[%min3A_5, %dma_start3A_7] : memref<30522x768xf32, #tpu.memory_space<hbm>> -> memref<32x768xf32, #tpu.memory_space<hbm>>
    tpu.enqueue_dma source(%dma_start3A_8 : memref<32x768xf32, #tpu.memory_space<hbm>>) target(%arg4 : memref<32x768xf32, #tpu.memory_space<vmem>>) target_semaphore(%arg8 : memref<!tpu.dma_semaphore, #tpu.memory_space<semaphore_mem>>)
    %scan3A = arith.constant 0 : i32
    %scan3A_9 = arith.constant 15 : i32
    %scan3A_10 = arith.addi %scan3A, %scan3A_9 : i32
    %scan3A_11 = arith.constant 1 : i32
    scf.for %scan3A_24 = %scan3A to %scan3A_10 step %scan3A_11  : i32 {
      %mul3A_25 = arith.constant 2 : i32
      %mul3A_26 = arith.muli %scan3A_24, %mul3A_25 : i32
      %add3A_27 = arith.constant 0 : i32
      %add3A_28 = arith.addi %add3A_27, %mul3A_26 : i32
      %add3A_29 = arith.constant 0 : i32
      %add3A_30 = arith.addi %add3A_28, %add3A_29 : i32
      %add3A_31 = arith.constant 1 : i32
      %add3A_32 = arith.addi %add3A_30, %add3A_31 : i32
      %lt3A = arith.constant 30 : i32
      %lt3A_33 = arith.cmpi slt, %add3A_32, %lt3A : i32
      %convert_element_type3A = arith.extui %lt3A_33 : i1 to i32
      %cond3A = arith.constant 0 : i32
      %cond3A_34 = arith.cmpi ne, %convert_element_type3A, %cond3A : i32
      scf.if %cond3A_34 {
        %add3A_95 = arith.constant 1 : i32
        %add3A_96 = arith.addi %add3A_30, %add3A_95 : i32
        %mul3A_97 = arith.constant 32 : i32
        %mul3A_98 = arith.muli %add3A_96, %mul3A_97 : i32
        %add3A_99 = arith.addi %mul3A_2, %mul3A_98 : i32
        %min3A_100 = arith.constant 30490 : i32
        %min3A_101 = arith.minsi %add3A_99, %min3A_100 : i32
        %dma_start3A_102 = arith.constant 0 : i32
        %dma_start3A_103 = tpu.memref_slice %arg2[%min3A_101, %dma_start3A_102] : memref<30522x768xf32, #tpu.memory_space<hbm>> -> memref<32x768xf32, #tpu.memory_space<hbm>>
        %dma_start3A_104 = arith.constant 0 : i32
        %dma_start3A_105 = tpu.memref_slice %arg2[%min3A_101, %dma_start3A_104] : memref<30522x768xf32, #tpu.memory_space<hbm>> -> memref<32x768xf32, #tpu.memory_space<hbm>>
        tpu.enqueue_dma source(%dma_start3A_105 : memref<32x768xf32, #tpu.memory_space<hbm>>) target(%arg5 : memref<32x768xf32, #tpu.memory_space<vmem>>) target_semaphore(%arg9 : memref<!tpu.dma_semaphore, #tpu.memory_space<semaphore_mem>>)
      } else {
      }
      %dma_wait3A_35 = arith.constant 0 : i32
      %dma_wait3A_36 = arith.constant 0 : i32
      %dma_wait3A_37 = tpu.memref_slice %arg2[%dma_wait3A_35, %dma_wait3A_36] : memref<30522x768xf32, #tpu.memory_space<hbm>> -> memref<32x768xf32, #tpu.memory_space<hbm>>
      %dma_wait3A_38 = arith.constant 0 : i32
      %dma_wait3A_39 = arith.constant 0 : i32
      %dma_wait3A_40 = tpu.memref_slice %arg2[%dma_wait3A_38, %dma_wait3A_39] : memref<30522x768xf32, #tpu.memory_space<hbm>> -> memref<32x768xf32, #tpu.memory_space<hbm>>
      tpu.wait_dma2 semaphore(%arg8 : memref<!tpu.dma_semaphore, #tpu.memory_space<semaphore_mem>>) src(%dma_wait3A_40 : memref<32x768xf32, #tpu.memory_space<hbm>>) dst(%arg4 : memref<32x768xf32, #tpu.memory_space<vmem>>)
      %ge3A = arith.constant 2 : i32
      %ge3A_41 = arith.cmpi sge, %add3A_30, %ge3A : i32
      %convert_element_type3A_42 = arith.extui %ge3A_41 : i1 to i32
      %cond3A_43 = arith.constant 0 : i32
      %cond3A_44 = arith.cmpi ne, %convert_element_type3A_42, %cond3A_43 : i32
      scf.if %cond3A_44 {
        %dma_wait3A_95 = arith.constant 0 : i32
        %dma_wait3A_96 = arith.constant 0 : i32
        %dma_wait3A_97 = tpu.memref_slice %arg3[%dma_wait3A_95, %dma_wait3A_96] : memref<30522x768xbf16, #tpu.memory_space<hbm>> -> memref<32x768xbf16, #tpu.memory_space<hbm>>
        %dma_wait3A_98 = arith.constant 0 : i32
        %dma_wait3A_99 = arith.constant 0 : i32
        %dma_wait3A_100 = tpu.memref_slice %arg3[%dma_wait3A_98, %dma_wait3A_99] : memref<30522x768xbf16, #tpu.memory_space<hbm>> -> memref<32x768xbf16, #tpu.memory_space<hbm>>
        tpu.wait_dma2 semaphore(%arg10 : memref<!tpu.dma_semaphore, #tpu.memory_space<semaphore_mem>>) src(%arg6 : memref<32x768xbf16, #tpu.memory_space<vmem>>) dst(%dma_wait3A_100 : memref<32x768xbf16, #tpu.memory_space<hbm>>)
      } else {
      }
      %scan3A_45 = arith.constant 0 : i32
      %scan3A_46 = arith.constant 0 : i32
      %scan3A_47 = arith.constant 32 : i32
      %scan3A_48 = arith.addi %scan3A_46, %scan3A_47 : i32
      %scan3A_49 = arith.constant 1 : i32
      scf.for %scan3A_95 = %scan3A_46 to %scan3A_48 step %scan3A_49  : i32 {
        %get3A = arith.index_cast %scan3A_95 : i32 to index
        %get3A_96 = arith.constant 0 : index
        %get3A_97 = tpu.vector_load %arg4[%get3A, %get3A_96] {strides = array<i32>} : memref<32x768xf32, #tpu.memory_space<vmem>>, vector<16xf32>,
        %get3A_98 = arith.index_cast %scan3A_95 : i32 to index
        %get3A_99 = arith.constant 16 : index
        %get3A_100 = tpu.vector_load %arg4[%get3A_98, %get3A_99] {strides = array<i32>} : memref<32x768xf32, #tpu.memory_space<vmem>>, vector<16xf32>,
        %pack3A = tpu.pack_subelements %get3A_97, %get3A_100 {pack_format = #tpu.pack_format<interleaved>, positions = array<i32: 0, 1>} : vector<16xf32>, vector<16xf32> -> vector<32xbf16>
        %swap3A = arith.index_cast %scan3A_95 : i32 to index
        %swap3A_101 = arith.constant 0 : index
        %swap3A_102 = tpu.vector_load %arg6[%swap3A, %swap3A_101] {strides = array<i32>} : memref<32x768xbf16, #tpu.memory_space<vmem>>, vector<32xbf16>,
        tpu.vector_store %arg6[%swap3A, %swap3A_101], %pack3A {strides = array<i32>} : memref<32x768xbf16, #tpu.memory_space<vmem>>, vector<32xbf16>,
        %get3A_103 = arith.index_cast %scan3A_95 : i32 to index
        %get3A_104 = arith.constant 32 : index
        %get3A_105 = tpu.vector_load %arg4[%get3A_103, %get3A_104] {strides = array<i32>} : memref<32x768xf32, #tpu.memory_space<vmem>>, vector<16xf32>,
        %get3A_106 = arith.index_cast %scan3A_95 : i32 to index
        %get3A_107 = arith.constant 48 : index
        %get3A_108 = tpu.vector_load %arg4[%get3A_106, %get3A_107] {strides = array<i32>} : memref<32x768xf32, #tpu.memory_space<vmem>>, vector<16xf32>,
        %pack3A_109 = tpu.pack_subelements %get3A_105, %get3A_108 {pack_format = #tpu.pack_format<interleaved>, positions = array<i32: 0, 1>} : vector<16xf32>, vector<16xf32> -> vector<32xbf16>
        %swap3A_110 = arith.index_cast %scan3A_95 : i32 to index
        %swap3A_111 = arith.constant 32 : index
        %swap3A_112 = tpu.vector_load %arg6[%swap3A_110, %swap3A_111] {strides = array<i32>} : memref<32x768xbf16, #tpu.memory_space<vmem>>, vector<32xbf16>,
        tpu.vector_store %arg6[%swap3A_110, %swap3A_111], %pack3A_109 {strides = array<i32>} : memref<32x768xbf16, #tpu.memory_space<vmem>>, vector<32xbf16>,
        %get3A_113 = arith.index_cast %scan3A_95 : i32 to index
        %get3A_114 = arith.constant 64 : index
        %get3A_115 = tpu.vector_load %arg4[%get3A_113, %get3A_114] {strides = array<i32>} : memref<32x768xf32, #tpu.memory_space<vmem>>, vector<16xf32>,
        %get3A_116 = arith.index_cast %scan3A_95 : i32 to index
        %get3A_117 = arith.constant 80 : index
        %get3A_118 = tpu.vector_load %arg4[%get3A_116, %get3A_117] {strides = array<i32>} : memref<32x768xf32, #tpu.memory_space<vmem>>, vector<16xf32>,
        %pack3A_119 = tpu.pack_subelements %get3A_115, %get3A_118 {pack_format = #tpu.pack_format<interleaved>, positions = array<i32: 0, 1>} : vector<16xf32>, vector<16xf32> -> vector<32xbf16>
        %swap3A_120 = arith.index_cast %scan3A_95 : i32 to index
        %swap3A_121 = arith.constant 64 : index
        %swap3A_122 = tpu.vector_load %arg6[%swap3A_120, %swap3A_121] {strides = array<i32>} : memref<32x768xbf16, #tpu.memory_space<vmem>>, vector<32xbf16>,
        tpu.vector_store %arg6[%swap3A_120, %swap3A_121], %pack3A_119 {strides = array<i32>} : memref<32x768xbf16, #tpu.memory_space<vmem>>, vector<32xbf16>,
        %get3A_123 = arith.index_cast %scan3A_95 : i32 to index
        %get3A_124 = arith.constant 96 : index
        %get3A_125 = tpu.vector_load %arg4[%get3A_123, %get3A_124] {strides = array<i32>} : memref<32x768xf32, #tpu.memory_space<vmem>>, vector<16xf32>,
        %get3A_126 = arith.index_cast %scan3A_95 : i32 to index
        %get3A_127 = arith.constant 112 : index
        %get3A_128 = tpu.vector_load %arg4[%get3A_126, %get3A_127] {strides = array<i32>} : memref<32x768xf32, #tpu.memory_space<vmem>>, vector<16xf32>,
        %pack3A_129 = tpu.pack_subelements %get3A_125, %get3A_128 {pack_format = #tpu.pack_format<interleaved>, positions = array<i32: 0, 1>} : vector<16xf32>, vector<16xf32> -> vector<32xbf16>
        %swap3A_130 = arith.index_cast %scan3A_95 : i32 to index
        %swap3A_131 = arith.constant 96 : index
        %swap3A_132 = tpu.vector_load %arg6[%swap3A_130, %swap3A_131] {strides = array<i32>} : memref<32x768xbf16, #tpu.memory_space<vmem>>, vector<32xbf16>,
        tpu.vector_store %arg6[%swap3A_130, %swap3A_131], %pack3A_129 {strides = array<i32>} : memref<32x768xbf16, #tpu.memory_space<vmem>>, vector<32xbf16>,
        %get3A_133 = arith.index_cast %scan3A_95 : i32 to index
        %get3A_134 = arith.constant 128 : index
        %get3A_135 = tpu.vector_load %arg4[%get3A_133, %get3A_134] {strides = array<i32>} : memref<32x768xf32, #tpu.memory_space<vmem>>, vector<16xf32>,
        %get3A_136 = arith.index_cast %scan3A_95 : i32 to index
        %get3A_137 = arith.constant 144 : index
        %get3A_138 = tpu.vector_load %arg4[%get3A_136, %get3A_137] {strides = array<i32>} : memref<32x768xf32, #tpu.memory_space<vmem>>, vector<16xf32>,
        %pack3A_139 = tpu.pack_subelements %get3A_135, %get3A_138 {pack_format = #tpu.pack_format<interleaved>, positions = array<i32: 0, 1>} : vector<16xf32>, vector<16xf32> -> vector<32xbf16>
        %swap3A_140 = arith.index_cast %scan3A_95 : i32 to index
        %swap3A_141 = arith.constant 128 : index
        %swap3A_142 = tpu.vector_load %arg6[%swap3A_140, %swap3A_141] {strides = array<i32>} : memref<32x768xbf16, #tpu.memory_space<vmem>>, vector<32xbf16>,
        tpu.vector_store %arg6[%swap3A_140, %swap3A_141], %pack3A_139 {strides = array<i32>} : memref<32x768xbf16, #tpu.memory_space<vmem>>, vector<32xbf16>,
        %get3A_143 = arith.index_cast %scan3A_95 : i32 to index
        %get3A_144 = arith.constant 160 : index
        %get3A_145 = tpu.vector_load %arg4[%get3A_143, %get3A_144] {strides = array<i32>} : memref<32x768xf32, #tpu.memory_space<vmem>>, vector<16xf32>,
        %get3A_146 = arith.index_cast %scan3A_95 : i32 to index
        %get3A_147 = arith.constant 176 : index
        %get3A_148 = tpu.vector_load %arg4[%get3A_146, %get3A_147] {strides = array<i32>} : memref<32x768xf32, #tpu.memory_space<vmem>>, vector<16xf32>,
        %pack3A_149 = tpu.pack_subelements %get3A_145, %get3A_148 {pack_format = #tpu.pack_format<interleaved>, positions = array<i32: 0, 1>} : vector<16xf32>, vector<16xf32> -> vector<32xbf16>
        %swap3A_150 = arith.index_cast %scan3A_95 : i32 to index
        %swap3A_151 = arith.constant 160 : index
        %swap3A_152 = tpu.vector_load %arg6[%swap3A_150, %swap3A_151] {strides = array<i32>} : memref<32x768xbf16, #tpu.memory_space<vmem>>, vector<32xbf16>,
        tpu.vector_store %arg6[%swap3A_150, %swap3A_151], %pack3A_149 {strides = array<i32>} : memref<32x768xbf16, #tpu.memory_space<vmem>>, vector<32xbf16>,
        %get3A_153 = arith.index_cast %scan3A_95 : i32 to index
        %get3A_154 = arith.constant 192 : index
        %get3A_155 = tpu.vector_load %arg4[%get3A_153, %get3A_154] {strides = array<i32>} : memref<32x768xf32, #tpu.memory_space<vmem>>, vector<16xf32>,
        %get3A_156 = arith.index_cast %scan3A_95 : i32 to index
        %get3A_157 = arith.constant 208 : index
        %get3A_158 = tpu.vector_load %arg4[%get3A_156, %get3A_157] {strides = array<i32>} : memref<32x768xf32, #tpu.memory_space<vmem>>, vector<16xf32>,
        %pack3A_159 = tpu.pack_subelements %get3A_155, %get3A_158 {pack_format = #tpu.pack_format<interleaved>, positions = array<i32: 0, 1>} : vector<16xf32>, vector<16xf32> -> vector<32xbf16>
        %swap3A_160 = arith.index_cast %scan3A_95 : i32 to index
        %swap3A_161 = arith.constant 192 : index
        %swap3A_162 = tpu.vector_load %arg6[%swap3A_160, %swap3A_161] {strides = array<i32>} : memref<32x768xbf16, #tpu.memory_space<vmem>>, vector<32xbf16>,
        tpu.vector_store %arg6[%swap3A_160, %swap3A_161], %pack3A_159 {strides = array<i32>} : memref<32x768xbf16, #tpu.memory_space<vmem>>, vector<32xbf16>,
        %get3A_163 = arith.index_cast %scan3A_95 : i32 to index
        %get3A_164 = arith.constant 224 : index
        %get3A_165 = tpu.vector_load %arg4[%get3A_163, %get3A_164] {strides = array<i32>} : memref<32x768xf32, #tpu.memory_space<vmem>>, vector<16xf32>,
        %get3A_166 = arith.index_cast %scan3A_95 : i32 to index
        %get3A_167 = arith.constant 240 : index
        %get3A_168 = tpu.vector_load %arg4[%get3A_166, %get3A_167] {strides = array<i32>} : memref<32x768xf32, #tpu.memory_space<vmem>>, vector<16xf32>,
        %pack3A_169 = tpu.pack_subelements %get3A_165, %get3A_168 {pack_format = #tpu.pack_format<interleaved>, positions = array<i32: 0, 1>} : vector<16xf32>, vector<16xf32> -> vector<32xbf16>
        %swap3A_170 = arith.index_cast %scan3A_95 : i32 to index
        %swap3A_171 = arith.constant 224 : index
        %swap3A_172 = tpu.vector_load %arg6[%swap3A_170, %swap3A_171] {strides = array<i32>} : memref<32x768xbf16, #tpu.memory_space<vmem>>, vector<32xbf16>,
        tpu.vector_store %arg6[%swap3A_170, %swap3A_171], %pack3A_169 {strides = array<i32>} : memref<32x768xbf16, #tpu.memory_space<vmem>>, vector<32xbf16>,
        %get3A_173 = arith.index_cast %scan3A_95 : i32 to index
        %get3A_174 = arith.constant 256 : index
        %get3A_175 = tpu.vector_load %arg4[%get3A_173, %get3A_174] {strides = array<i32>} : memref<32x768xf32, #tpu.memory_space<vmem>>, vector<16xf32>,
        %get3A_176 = arith.index_cast %scan3A_95 : i32 to index
        %get3A_177 = arith.constant 272 : index
        %get3A_178 = tpu.vector_load %arg4[%get3A_176, %get3A_177] {strides = array<i32>} : memref<32x768xf32, #tpu.memory_space<vmem>>, vector<16xf32>,
        %pack3A_179 = tpu.pack_subelements %get3A_175, %get3A_178 {pack_format = #tpu.pack_format<interleaved>, positions = array<i32: 0, 1>} : vector<16xf32>, vector<16xf32> -> vector<32xbf16>
        %swap3A_180 = arith.index_cast %scan3A_95 : i32 to index
        %swap3A_181 = arith.constant 256 : index
        %swap3A_182 = tpu.vector_load %arg6[%swap3A_180, %swap3A_181] {strides = array<i32>} : memref<32x768xbf16, #tpu.memory_space<vmem>>, vector<32xbf16>,
        tpu.vector_store %arg6[%swap3A_180, %swap3A_181], %pack3A_179 {strides = array<i32>} : memref<32x768xbf16, #tpu.memory_space<vmem>>, vector<32xbf16>,
        %get3A_183 = arith.index_cast %scan3A_95 : i32 to index
        %get3A_184 = arith.constant 288 : index
        %get3A_185 = tpu.vector_load %arg4[%get3A_183, %get3A_184] {strides = array<i32>} : memref<32x768xf32, #tpu.memory_space<vmem>>, vector<16xf32>,
        %get3A_186 = arith.index_cast %scan3A_95 : i32 to index
        %get3A_187 = arith.constant 304 : index
        %get3A_188 = tpu.vector_load %arg4[%get3A_186, %get3A_187] {strides = array<i32>} : memref<32x768xf32, #tpu.memory_space<vmem>>, vector<16xf32>,
        %pack3A_189 = tpu.pack_subelements %get3A_185, %get3A_188 {pack_format = #tpu.pack_format<interleaved>, positions = array<i32: 0, 1>} : vector<16xf32>, vector<16xf32> -> vector<32xbf16>
        %swap3A_190 = arith.index_cast %scan3A_95 : i32 to index
        %swap3A_191 = arith.constant 288 : index
        %swap3A_192 = tpu.vector_load %arg6[%swap3A_190, %swap3A_191] {strides = array<i32>} : memref<32x768xbf16, #tpu.memory_space<vmem>>, vector<32xbf16>,
        tpu.vector_store %arg6[%swap3A_190, %swap3A_191], %pack3A_189 {strides = array<i32>} : memref<32x768xbf16, #tpu.memory_space<vmem>>, vector<32xbf16>,
        %get3A_193 = arith.index_cast %scan3A_95 : i32 to index
        %get3A_194 = arith.constant 320 : index
        %get3A_195 = tpu.vector_load %arg4[%get3A_193, %get3A_194] {strides = array<i32>} : memref<32x768xf32, #tpu.memory_space<vmem>>, vector<16xf32>,
        %get3A_196 = arith.index_cast %scan3A_95 : i32 to index
        %get3A_197 = arith.constant 336 : index
        %get3A_198 = tpu.vector_load %arg4[%get3A_196, %get3A_197] {strides = array<i32>} : memref<32x768xf32, #tpu.memory_space<vmem>>, vector<16xf32>,
        %pack3A_199 = tpu.pack_subelements %get3A_195, %get3A_198 {pack_format = #tpu.pack_format<interleaved>, positions = array<i32: 0, 1>} : vector<16xf32>, vector<16xf32> -> vector<32xbf16>
        %swap3A_200 = arith.index_cast %scan3A_95 : i32 to index
        %swap3A_201 = arith.constant 320 : index
        %swap3A_202 = tpu.vector_load %arg6[%swap3A_200, %swap3A_201] {strides = array<i32>} : memref<32x768xbf16, #tpu.memory_space<vmem>>, vector<32xbf16>,
        tpu.vector_store %arg6[%swap3A_200, %swap3A_201], %pack3A_199 {strides = array<i32>} : memref<32x768xbf16, #tpu.memory_space<vmem>>, vector<32xbf16>,
        %get3A_203 = arith.index_cast %scan3A_95 : i32 to index
        %get3A_204 = arith.constant 352 : index
        %get3A_205 = tpu.vector_load %arg4[%get3A_203, %get3A_204] {strides = array<i32>} : memref<32x768xf32, #tpu.memory_space<vmem>>, vector<16xf32>,
        %get3A_206 = arith.index_cast %scan3A_95 : i32 to index
        %get3A_207 = arith.constant 368 : index
        %get3A_208 = tpu.vector_load %arg4[%get3A_206, %get3A_207] {strides = array<i32>} : memref<32x768xf32, #tpu.memory_space<vmem>>, vector<16xf32>,
        %pack3A_209 = tpu.pack_subelements %get3A_205, %get3A_208 {pack_format = #tpu.pack_format<interleaved>, positions = array<i32: 0, 1>} : vector<16xf32>, vector<16xf32> -> vector<32xbf16>
        %swap3A_210 = arith.index_cast %scan3A_95 : i32 to index
        %swap3A_211 = arith.constant 352 : index
        %swap3A_212 = tpu.vector_load %arg6[%swap3A_210, %swap3A_211] {strides = array<i32>} : memref<32x768xbf16, #tpu.memory_space<vmem>>, vector<32xbf16>,
        tpu.vector_store %arg6[%swap3A_210, %swap3A_211], %pack3A_209 {strides = array<i32>} : memref<32x768xbf16, #tpu.memory_space<vmem>>, vector<32xbf16>,
        %get3A_213 = arith.index_cast %scan3A_95 : i32 to index
        %get3A_214 = arith.constant 384 : index
        %get3A_215 = tpu.vector_load %arg4[%get3A_213, %get3A_214] {strides = array<i32>} : memref<32x768xf32, #tpu.memory_space<vmem>>, vector<16xf32>,
        %get3A_216 = arith.index_cast %scan3A_95 : i32 to index
        %get3A_217 = arith.constant 400 : index
        %get3A_218 = tpu.vector_load %arg4[%get3A_216, %get3A_217] {strides = array<i32>} : memref<32x768xf32, #tpu.memory_space<vmem>>, vector<16xf32>,
        %pack3A_219 = tpu.pack_subelements %get3A_215, %get3A_218 {pack_format = #tpu.pack_format<interleaved>, positions = array<i32: 0, 1>} : vector<16xf32>, vector<16xf32> -> vector<32xbf16>
        %swap3A_220 = arith.index_cast %scan3A_95 : i32 to index
        %swap3A_221 = arith.constant 384 : index
        %swap3A_222 = tpu.vector_load %arg6[%swap3A_220, %swap3A_221] {strides = array<i32>} : memref<32x768xbf16, #tpu.memory_space<vmem>>, vector<32xbf16>,
        tpu.vector_store %arg6[%swap3A_220, %swap3A_221], %pack3A_219 {strides = array<i32>} : memref<32x768xbf16, #tpu.memory_space<vmem>>, vector<32xbf16>,
        %get3A_223 = arith.index_cast %scan3A_95 : i32 to index
        %get3A_224 = arith.constant 416 : index
        %get3A_225 = tpu.vector_load %arg4[%get3A_223, %get3A_224] {strides = array<i32>} : memref<32x768xf32, #tpu.memory_space<vmem>>, vector<16xf32>,
        %get3A_226 = arith.index_cast %scan3A_95 : i32 to index
        %get3A_227 = arith.constant 432 : index
        %get3A_228 = tpu.vector_load %arg4[%get3A_226, %get3A_227] {strides = array<i32>} : memref<32x768xf32, #tpu.memory_space<vmem>>, vector<16xf32>,
        %pack3A_229 = tpu.pack_subelements %get3A_225, %get3A_228 {pack_format = #tpu.pack_format<interleaved>, positions = array<i32: 0, 1>} : vector<16xf32>, vector<16xf32> -> vector<32xbf16>
        %swap3A_230 = arith.index_cast %scan3A_95 : i32 to index
        %swap3A_231 = arith.constant 416 : index
        %swap3A_232 = tpu.vector_load %arg6[%swap3A_230, %swap3A_231] {strides = array<i32>} : memref<32x768xbf16, #tpu.memory_space<vmem>>, vector<32xbf16>,
        tpu.vector_store %arg6[%swap3A_230, %swap3A_231], %pack3A_229 {strides = array<i32>} : memref<32x768xbf16, #tpu.memory_space<vmem>>, vector<32xbf16>,
        %get3A_233 = arith.index_cast %scan3A_95 : i32 to index
        %get3A_234 = arith.constant 448 : index
        %get3A_235 = tpu.vector_load %arg4[%get3A_233, %get3A_234] {strides = array<i32>} : memref<32x768xf32, #tpu.memory_space<vmem>>, vector<16xf32>,
        %get3A_236 = arith.index_cast %scan3A_95 : i32 to index
        %get3A_237 = arith.constant 464 : index
        %get3A_238 = tpu.vector_load %arg4[%get3A_236, %get3A_237] {strides = array<i32>} : memref<32x768xf32, #tpu.memory_space<vmem>>, vector<16xf32>,
        %pack3A_239 = tpu.pack_subelements %get3A_235, %get3A_238 {pack_format = #tpu.pack_format<interleaved>, positions = array<i32: 0, 1>} : vector<16xf32>, vector<16xf32> -> vector<32xbf16>
        %swap3A_240 = arith.index_cast %scan3A_95 : i32 to index
        %swap3A_241 = arith.constant 448 : index
        %swap3A_242 = tpu.vector_load %arg6[%swap3A_240, %swap3A_241] {strides = array<i32>} : memref<32x768xbf16, #tpu.memory_space<vmem>>, vector<32xbf16>,
        tpu.vector_store %arg6[%swap3A_240, %swap3A_241], %pack3A_239 {strides = array<i32>} : memref<32x768xbf16, #tpu.memory_space<vmem>>, vector<32xbf16>,
        %get3A_243 = arith.index_cast %scan3A_95 : i32 to index
        %get3A_244 = arith.constant 480 : index
        %get3A_245 = tpu.vector_load %arg4[%get3A_243, %get3A_244] {strides = array<i32>} : memref<32x768xf32, #tpu.memory_space<vmem>>, vector<16xf32>,
        %get3A_246 = arith.index_cast %scan3A_95 : i32 to index
        %get3A_247 = arith.constant 496 : index
        %get3A_248 = tpu.vector_load %arg4[%get3A_246, %get3A_247] {strides = array<i32>} : memref<32x768xf32, #tpu.memory_space<vmem>>, vector<16xf32>,
        %pack3A_249 = tpu.pack_subelements %get3A_245, %get3A_248 {pack_format = #tpu.pack_format<interleaved>, positions = array<i32: 0, 1>} : vector<16xf32>, vector<16xf32> -> vector<32xbf16>
        %swap3A_250 = arith.index_cast %scan3A_95 : i32 to index
        %swap3A_251 = arith.constant 480 : index
        %swap3A_252 = tpu.vector_load %arg6[%swap3A_250, %swap3A_251] {strides = array<i32>} : memref<32x768xbf16, #tpu.memory_space<vmem>>, vector<32xbf16>,
        tpu.vector_store %arg6[%swap3A_250, %swap3A_251], %pack3A_249 {strides = array<i32>} : memref<32x768xbf16, #tpu.memory_space<vmem>>, vector<32xbf16>,
        %get3A_253 = arith.index_cast %scan3A_95 : i32 to index
        %get3A_254 = arith.constant 512 : index
        %get3A_255 = tpu.vector_load %arg4[%get3A_253, %get3A_254] {strides = array<i32>} : memref<32x768xf32, #tpu.memory_space<vmem>>, vector<16xf32>,
        %get3A_256 = arith.index_cast %scan3A_95 : i32 to index
        %get3A_257 = arith.constant 528 : index
        %get3A_258 = tpu.vector_load %arg4[%get3A_256, %get3A_257] {strides = array<i32>} : memref<32x768xf32, #tpu.memory_space<vmem>>, vector<16xf32>,
        %pack3A_259 = tpu.pack_subelements %get3A_255, %get3A_258 {pack_format = #tpu.pack_format<interleaved>, positions = array<i32: 0, 1>} : vector<16xf32>, vector<16xf32> -> vector<32xbf16>
        %swap3A_260 = arith.index_cast %scan3A_95 : i32 to index
        %swap3A_261 = arith.constant 512 : index
        %swap3A_262 = tpu.vector_load %arg6[%swap3A_260, %swap3A_261] {strides = array<i32>} : memref<32x768xbf16, #tpu.memory_space<vmem>>, vector<32xbf16>,
        tpu.vector_store %arg6[%swap3A_260, %swap3A_261], %pack3A_259 {strides = array<i32>} : memref<32x768xbf16, #tpu.memory_space<vmem>>, vector<32xbf16>,
        %get3A_263 = arith.index_cast %scan3A_95 : i32 to index
        %get3A_264 = arith.constant 544 : index
        %get3A_265 = tpu.vector_load %arg4[%get3A_263, %get3A_264] {strides = array<i32>} : memref<32x768xf32, #tpu.memory_space<vmem>>, vector<16xf32>,
        %get3A_266 = arith.index_cast %scan3A_95 : i32 to index
        %get3A_267 = arith.constant 560 : index
        %get3A_268 = tpu.vector_load %arg4[%get3A_266, %get3A_267] {strides = array<i32>} : memref<32x768xf32, #tpu.memory_space<vmem>>, vector<16xf32>,
        %pack3A_269 = tpu.pack_subelements %get3A_265, %get3A_268 {pack_format = #tpu.pack_format<interleaved>, positions = array<i32: 0, 1>} : vector<16xf32>, vector<16xf32> -> vector<32xbf16>
        %swap3A_270 = arith.index_cast %scan3A_95 : i32 to index
        %swap3A_271 = arith.constant 544 : index
        %swap3A_272 = tpu.vector_load %arg6[%swap3A_270, %swap3A_271] {strides = array<i32>} : memref<32x768xbf16, #tpu.memory_space<vmem>>, vector<32xbf16>,
        tpu.vector_store %arg6[%swap3A_270, %swap3A_271], %pack3A_269 {strides = array<i32>} : memref<32x768xbf16, #tpu.memory_space<vmem>>, vector<32xbf16>,
        %get3A_273 = arith.index_cast %scan3A_95 : i32 to index
        %get3A_274 = arith.constant 576 : index
        %get3A_275 = tpu.vector_load %arg4[%get3A_273, %get3A_274] {strides = array<i32>} : memref<32x768xf32, #tpu.memory_space<vmem>>, vector<16xf32>,
        %get3A_276 = arith.index_cast %scan3A_95 : i32 to index
        %get3A_277 = arith.constant 592 : index
        %get3A_278 = tpu.vector_load %arg4[%get3A_276, %get3A_277] {strides = array<i32>} : memref<32x768xf32, #tpu.memory_space<vmem>>, vector<16xf32>,
        %pack3A_279 = tpu.pack_subelements %get3A_275, %get3A_278 {pack_format = #tpu.pack_format<interleaved>, positions = array<i32: 0, 1>} : vector<16xf32>, vector<16xf32> -> vector<32xbf16>
        %swap3A_280 = arith.index_cast %scan3A_95 : i32 to index
        %swap3A_281 = arith.constant 576 : index
        %swap3A_282 = tpu.vector_load %arg6[%swap3A_280, %swap3A_281] {strides = array<i32>} : memref<32x768xbf16, #tpu.memory_space<vmem>>, vector<32xbf16>,
        tpu.vector_store %arg6[%swap3A_280, %swap3A_281], %pack3A_279 {strides = array<i32>} : memref<32x768xbf16, #tpu.memory_space<vmem>>, vector<32xbf16>,
        %get3A_283 = arith.index_cast %scan3A_95 : i32 to index
        %get3A_284 = arith.constant 608 : index
        %get3A_285 = tpu.vector_load %arg4[%get3A_283, %get3A_284] {strides = array<i32>} : memref<32x768xf32, #tpu.memory_space<vmem>>, vector<16xf32>,
        %get3A_286 = arith.index_cast %scan3A_95 : i32 to index
        %get3A_287 = arith.constant 624 : index
        %get3A_288 = tpu.vector_load %arg4[%get3A_286, %get3A_287] {strides = array<i32>} : memref<32x768xf32, #tpu.memory_space<vmem>>, vector<16xf32>,
        %pack3A_289 = tpu.pack_subelements %get3A_285, %get3A_288 {pack_format = #tpu.pack_format<interleaved>, positions = array<i32: 0, 1>} : vector<16xf32>, vector<16xf32> -> vector<32xbf16>
        %swap3A_290 = arith.index_cast %scan3A_95 : i32 to index
        %swap3A_291 = arith.constant 608 : index
        %swap3A_292 = tpu.vector_load %arg6[%swap3A_290, %swap3A_291] {strides = array<i32>} : memref<32x768xbf16, #tpu.memory_space<vmem>>, vector<32xbf16>,
        tpu.vector_store %arg6[%swap3A_290, %swap3A_291], %pack3A_289 {strides = array<i32>} : memref<32x768xbf16, #tpu.memory_space<vmem>>, vector<32xbf16>,
        %get3A_293 = arith.index_cast %scan3A_95 : i32 to index
        %get3A_294 = arith.constant 640 : index
        %get3A_295 = tpu.vector_load %arg4[%get3A_293, %get3A_294] {strides = array<i32>} : memref<32x768xf32, #tpu.memory_space<vmem>>, vector<16xf32>,
        %get3A_296 = arith.index_cast %scan3A_95 : i32 to index
        %get3A_297 = arith.constant 656 : index
        %get3A_298 = tpu.vector_load %arg4[%get3A_296, %get3A_297] {strides = array<i32>} : memref<32x768xf32, #tpu.memory_space<vmem>>, vector<16xf32>,
        %pack3A_299 = tpu.pack_subelements %get3A_295, %get3A_298 {pack_format = #tpu.pack_format<interleaved>, positions = array<i32: 0, 1>} : vector<16xf32>, vector<16xf32> -> vector<32xbf16>
        %swap3A_300 = arith.index_cast %scan3A_95 : i32 to index
        %swap3A_301 = arith.constant 640 : index
        %swap3A_302 = tpu.vector_load %arg6[%swap3A_300, %swap3A_301] {strides = array<i32>} : memref<32x768xbf16, #tpu.memory_space<vmem>>, vector<32xbf16>,
        tpu.vector_store %arg6[%swap3A_300, %swap3A_301], %pack3A_299 {strides = array<i32>} : memref<32x768xbf16, #tpu.memory_space<vmem>>, vector<32xbf16>,
        %get3A_303 = arith.index_cast %scan3A_95 : i32 to index
        %get3A_304 = arith.constant 672 : index
        %get3A_305 = tpu.vector_load %arg4[%get3A_303, %get3A_304] {strides = array<i32>} : memref<32x768xf32, #tpu.memory_space<vmem>>, vector<16xf32>,
        %get3A_306 = arith.index_cast %scan3A_95 : i32 to index
        %get3A_307 = arith.constant 688 : index
        %get3A_308 = tpu.vector_load %arg4[%get3A_306, %get3A_307] {strides = array<i32>} : memref<32x768xf32, #tpu.memory_space<vmem>>, vector<16xf32>,
        %pack3A_309 = tpu.pack_subelements %get3A_305, %get3A_308 {pack_format = #tpu.pack_format<interleaved>, positions = array<i32: 0, 1>} : vector<16xf32>, vector<16xf32> -> vector<32xbf16>
        %swap3A_310 = arith.index_cast %scan3A_95 : i32 to index
        %swap3A_311 = arith.constant 672 : index
        %swap3A_312 = tpu.vector_load %arg6[%swap3A_310, %swap3A_311] {strides = array<i32>} : memref<32x768xbf16, #tpu.memory_space<vmem>>, vector<32xbf16>,
        tpu.vector_store %arg6[%swap3A_310, %swap3A_311], %pack3A_309 {strides = array<i32>} : memref<32x768xbf16, #tpu.memory_space<vmem>>, vector<32xbf16>,
        %get3A_313 = arith.index_cast %scan3A_95 : i32 to index
        %get3A_314 = arith.constant 704 : index
        %get3A_315 = tpu.vector_load %arg4[%get3A_313, %get3A_314] {strides = array<i32>} : memref<32x768xf32, #tpu.memory_space<vmem>>, vector<16xf32>,
        %get3A_316 = arith.index_cast %scan3A_95 : i32 to index
        %get3A_317 = arith.constant 720 : index
        %get3A_318 = tpu.vector_load %arg4[%get3A_316, %get3A_317] {strides = array<i32>} : memref<32x768xf32, #tpu.memory_space<vmem>>, vector<16xf32>,
        %pack3A_319 = tpu.pack_subelements %get3A_315, %get3A_318 {pack_format = #tpu.pack_format<interleaved>, positions = array<i32: 0, 1>} : vector<16xf32>, vector<16xf32> -> vector<32xbf16>
        %swap3A_320 = arith.index_cast %scan3A_95 : i32 to index
        %swap3A_321 = arith.constant 704 : index
        %swap3A_322 = tpu.vector_load %arg6[%swap3A_320, %swap3A_321] {strides = array<i32>} : memref<32x768xbf16, #tpu.memory_space<vmem>>, vector<32xbf16>,
        tpu.vector_store %arg6[%swap3A_320, %swap3A_321], %pack3A_319 {strides = array<i32>} : memref<32x768xbf16, #tpu.memory_space<vmem>>, vector<32xbf16>,
        %get3A_323 = arith.index_cast %scan3A_95 : i32 to index
        %get3A_324 = arith.constant 736 : index
        %get3A_325 = tpu.vector_load %arg4[%get3A_323, %get3A_324] {strides = array<i32>} : memref<32x768xf32, #tpu.memory_space<vmem>>, vector<16xf32>,
        %get3A_326 = arith.index_cast %scan3A_95 : i32 to index
        %get3A_327 = arith.constant 752 : index
        %get3A_328 = tpu.vector_load %arg4[%get3A_326, %get3A_327] {strides = array<i32>} : memref<32x768xf32, #tpu.memory_space<vmem>>, vector<16xf32>,
        %pack3A_329 = tpu.pack_subelements %get3A_325, %get3A_328 {pack_format = #tpu.pack_format<interleaved>, positions = array<i32: 0, 1>} : vector<16xf32>, vector<16xf32> -> vector<32xbf16>
        %swap3A_330 = arith.index_cast %scan3A_95 : i32 to index
        %swap3A_331 = arith.constant 736 : index
        %swap3A_332 = tpu.vector_load %arg6[%swap3A_330, %swap3A_331] {strides = array<i32>} : memref<32x768xbf16, #tpu.memory_space<vmem>>, vector<32xbf16>,
        tpu.vector_store %arg6[%swap3A_330, %swap3A_331], %pack3A_329 {strides = array<i32>} : memref<32x768xbf16, #tpu.memory_space<vmem>>, vector<32xbf16>,
      }
      %scan3A_50 = arith.constant 32 : i32
      %mul3A_51 = arith.constant 32 : i32
      %mul3A_52 = arith.muli %add3A_30, %mul3A_51 : i32
      %add3A_53 = arith.addi %mul3A_2, %mul3A_52 : i32
      %min3A_54 = arith.constant 30490 : i32
      %min3A_55 = arith.minsi %add3A_53, %min3A_54 : i32
      %dma_start3A_56 = arith.constant 0 : i32
      %dma_start3A_57 = tpu.memref_slice %arg3[%min3A_55, %dma_start3A_56] : memref<30522x768xbf16, #tpu.memory_space<hbm>> -> memref<32x768xbf16, #tpu.memory_space<hbm>>
      %dma_start3A_58 = arith.constant 0 : i32
      %dma_start3A_59 = tpu.memref_slice %arg3[%min3A_55, %dma_start3A_58] : memref<30522x768xbf16, #tpu.memory_space<hbm>> -> memref<32x768xbf16, #tpu.memory_space<hbm>>
      tpu.enqueue_dma source(%arg6 : memref<32x768xbf16, #tpu.memory_space<vmem>>) target(%dma_start3A_59 : memref<32x768xbf16, #tpu.memory_space<hbm>>) target_semaphore(%arg10 : memref<!tpu.dma_semaphore, #tpu.memory_space<semaphore_mem>>)
      %add3A_60 = arith.constant 1 : i32
      %add3A_61 = arith.addi %add3A_28, %add3A_60 : i32
      %add3A_62 = arith.constant 1 : i32
      %add3A_63 = arith.addi %add3A_61, %add3A_62 : i32
      %lt3A_64 = arith.constant 30 : i32
      %lt3A_65 = arith.cmpi slt, %add3A_63, %lt3A_64 : i32
      %convert_element_type3A_66 = arith.extui %lt3A_65 : i1 to i32
      %cond3A_67 = arith.constant 0 : i32
      %cond3A_68 = arith.cmpi ne, %convert_element_type3A_66, %cond3A_67 : i32
      scf.if %cond3A_68 {
        %add3A_95 = arith.constant 1 : i32
        %add3A_96 = arith.addi %add3A_61, %add3A_95 : i32
        %mul3A_97 = arith.constant 32 : i32
        %mul3A_98 = arith.muli %add3A_96, %mul3A_97 : i32
        %add3A_99 = arith.addi %mul3A_2, %mul3A_98 : i32
        %min3A_100 = arith.constant 30490 : i32
        %min3A_101 = arith.minsi %add3A_99, %min3A_100 : i32
        %dma_start3A_102 = arith.constant 0 : i32
        %dma_start3A_103 = tpu.memref_slice %arg2[%min3A_101, %dma_start3A_102] : memref<30522x768xf32, #tpu.memory_space<hbm>> -> memref<32x768xf32, #tpu.memory_space<hbm>>
        %dma_start3A_104 = arith.constant 0 : i32
        %dma_start3A_105 = tpu.memref_slice %arg2[%min3A_101, %dma_start3A_104] : memref<30522x768xf32, #tpu.memory_space<hbm>> -> memref<32x768xf32, #tpu.memory_space<hbm>>
        tpu.enqueue_dma source(%dma_start3A_105 : memref<32x768xf32, #tpu.memory_space<hbm>>) target(%arg4 : memref<32x768xf32, #tpu.memory_space<vmem>>) target_semaphore(%arg8 : memref<!tpu.dma_semaphore, #tpu.memory_space<semaphore_mem>>)
      } else {
      }
      %dma_wait3A_69 = arith.constant 0 : i32
      %dma_wait3A_70 = arith.constant 0 : i32
      %dma_wait3A_71 = tpu.memref_slice %arg2[%dma_wait3A_69, %dma_wait3A_70] : memref<30522x768xf32, #tpu.memory_space<hbm>> -> memref<32x768xf32, #tpu.memory_space<hbm>>
      %dma_wait3A_72 = arith.constant 0 : i32
      %dma_wait3A_73 = arith.constant 0 : i32
      %dma_wait3A_74 = tpu.memref_slice %arg2[%dma_wait3A_72, %dma_wait3A_73] : memref<30522x768xf32, #tpu.memory_space<hbm>> -> memref<32x768xf32, #tpu.memory_space<hbm>>
      tpu.wait_dma2 semaphore(%arg9 : memref<!tpu.dma_semaphore, #tpu.memory_space<semaphore_mem>>) src(%dma_wait3A_74 : memref<32x768xf32, #tpu.memory_space<hbm>>) dst(%arg5 : memref<32x768xf32, #tpu.memory_space<vmem>>)
      %ge3A_75 = arith.constant 2 : i32
      %ge3A_76 = arith.cmpi sge, %add3A_61, %ge3A_75 : i32
      %convert_element_type3A_77 = arith.extui %ge3A_76 : i1 to i32
      %cond3A_78 = arith.constant 0 : i32
      %cond3A_79 = arith.cmpi ne, %convert_element_type3A_77, %cond3A_78 : i32
      scf.if %cond3A_79 {
        %dma_wait3A_95 = arith.constant 0 : i32
        %dma_wait3A_96 = arith.constant 0 : i32
        %dma_wait3A_97 = tpu.memref_slice %arg3[%dma_wait3A_95, %dma_wait3A_96] : memref<30522x768xbf16, #tpu.memory_space<hbm>> -> memref<32x768xbf16, #tpu.memory_space<hbm>>
        %dma_wait3A_98 = arith.constant 0 : i32
        %dma_wait3A_99 = arith.constant 0 : i32
        %dma_wait3A_100 = tpu.memref_slice %arg3[%dma_wait3A_98, %dma_wait3A_99] : memref<30522x768xbf16, #tpu.memory_space<hbm>> -> memref<32x768xbf16, #tpu.memory_space<hbm>>
        tpu.wait_dma2 semaphore(%arg11 : memref<!tpu.dma_semaphore, #tpu.memory_space<semaphore_mem>>) src(%arg7 : memref<32x768xbf16, #tpu.memory_space<vmem>>) dst(%dma_wait3A_100 : memref<32x768xbf16, #tpu.memory_space<hbm>>)
      } else {
      }
      %scan3A_80 = arith.constant 0 : i32
      %scan3A_81 = arith.constant 0 : i32
      %scan3A_82 = arith.constant 32 : i32
      %scan3A_83 = arith.addi %scan3A_81, %scan3A_82 : i32
      %scan3A_84 = arith.constant 1 : i32
      scf.for %scan3A_95 = %scan3A_81 to %scan3A_83 step %scan3A_84  : i32 {
        %get3A = arith.index_cast %scan3A_95 : i32 to index
        %get3A_96 = arith.constant 0 : index
        %get3A_97 = tpu.vector_load %arg5[%get3A, %get3A_96] {strides = array<i32>} : memref<32x768xf32, #tpu.memory_space<vmem>>, vector<16xf32>,
        %get3A_98 = arith.index_cast %scan3A_95 : i32 to index
        %get3A_99 = arith.constant 16 : index
        %get3A_100 = tpu.vector_load %arg5[%get3A_98, %get3A_99] {strides = array<i32>} : memref<32x768xf32, #tpu.memory_space<vmem>>, vector<16xf32>,
        %pack3A = tpu.pack_subelements %get3A_97, %get3A_100 {pack_format = #tpu.pack_format<interleaved>, positions = array<i32: 0, 1>} : vector<16xf32>, vector<16xf32> -> vector<32xbf16>
        %swap3A = arith.index_cast %scan3A_95 : i32 to index
        %swap3A_101 = arith.constant 0 : index
        %swap3A_102 = tpu.vector_load %arg7[%swap3A, %swap3A_101] {strides = array<i32>} : memref<32x768xbf16, #tpu.memory_space<vmem>>, vector<32xbf16>,
        tpu.vector_store %arg7[%swap3A, %swap3A_101], %pack3A {strides = array<i32>} : memref<32x768xbf16, #tpu.memory_space<vmem>>, vector<32xbf16>,
        %get3A_103 = arith.index_cast %scan3A_95 : i32 to index
        %get3A_104 = arith.constant 32 : index
        %get3A_105 = tpu.vector_load %arg5[%get3A_103, %get3A_104] {strides = array<i32>} : memref<32x768xf32, #tpu.memory_space<vmem>>, vector<16xf32>,
        %get3A_106 = arith.index_cast %scan3A_95 : i32 to index
        %get3A_107 = arith.constant 48 : index
        %get3A_108 = tpu.vector_load %arg5[%get3A_106, %get3A_107] {strides = array<i32>} : memref<32x768xf32, #tpu.memory_space<vmem>>, vector<16xf32>,
        %pack3A_109 = tpu.pack_subelements %get3A_105, %get3A_108 {pack_format = #tpu.pack_format<interleaved>, positions = array<i32: 0, 1>} : vector<16xf32>, vector<16xf32> -> vector<32xbf16>
        %swap3A_110 = arith.index_cast %scan3A_95 : i32 to index
        %swap3A_111 = arith.constant 32 : index
        %swap3A_112 = tpu.vector_load %arg7[%swap3A_110, %swap3A_111] {strides = array<i32>} : memref<32x768xbf16, #tpu.memory_space<vmem>>, vector<32xbf16>,
        tpu.vector_store %arg7[%swap3A_110, %swap3A_111], %pack3A_109 {strides = array<i32>} : memref<32x768xbf16, #tpu.memory_space<vmem>>, vector<32xbf16>,
        %get3A_113 = arith.index_cast %scan3A_95 : i32 to index
        %get3A_114 = arith.constant 64 : index
        %get3A_115 = tpu.vector_load %arg5[%get3A_113, %get3A_114] {strides = array<i32>} : memref<32x768xf32, #tpu.memory_space<vmem>>, vector<16xf32>,
        %get3A_116 = arith.index_cast %scan3A_95 : i32 to index
        %get3A_117 = arith.constant 80 : index
        %get3A_118 = tpu.vector_load %arg5[%get3A_116, %get3A_117] {strides = array<i32>} : memref<32x768xf32, #tpu.memory_space<vmem>>, vector<16xf32>,
        %pack3A_119 = tpu.pack_subelements %get3A_115, %get3A_118 {pack_format = #tpu.pack_format<interleaved>, positions = array<i32: 0, 1>} : vector<16xf32>, vector<16xf32> -> vector<32xbf16>
        %swap3A_120 = arith.index_cast %scan3A_95 : i32 to index
        %swap3A_121 = arith.constant 64 : index
        %swap3A_122 = tpu.vector_load %arg7[%swap3A_120, %swap3A_121] {strides = array<i32>} : memref<32x768xbf16, #tpu.memory_space<vmem>>, vector<32xbf16>,
        tpu.vector_store %arg7[%swap3A_120, %swap3A_121], %pack3A_119 {strides = array<i32>} : memref<32x768xbf16, #tpu.memory_space<vmem>>, vector<32xbf16>,
        %get3A_123 = arith.index_cast %scan3A_95 : i32 to index
        %get3A_124 = arith.constant 96 : index
        %get3A_125 = tpu.vector_load %arg5[%get3A_123, %get3A_124] {strides = array<i32>} : memref<32x768xf32, #tpu.memory_space<vmem>>, vector<16xf32>,
        %get3A_126 = arith.index_cast %scan3A_95 : i32 to index
        %get3A_127 = arith.constant 112 : index
        %get3A_128 = tpu.vector_load %arg5[%get3A_126, %get3A_127] {strides = array<i32>} : memref<32x768xf32, #tpu.memory_space<vmem>>, vector<16xf32>,
        %pack3A_129 = tpu.pack_subelements %get3A_125, %get3A_128 {pack_format = #tpu.pack_format<interleaved>, positions = array<i32: 0, 1>} : vector<16xf32>, vector<16xf32> -> vector<32xbf16>
        %swap3A_130 = arith.index_cast %scan3A_95 : i32 to index
        %swap3A_131 = arith.constant 96 : index
        %swap3A_132 = tpu.vector_load %arg7[%swap3A_130, %swap3A_131] {strides = array<i32>} : memref<32x768xbf16, #tpu.memory_space<vmem>>, vector<32xbf16>,
        tpu.vector_store %arg7[%swap3A_130, %swap3A_131], %pack3A_129 {strides = array<i32>} : memref<32x768xbf16, #tpu.memory_space<vmem>>, vector<32xbf16>,
        %get3A_133 = arith.index_cast %scan3A_95 : i32 to index
        %get3A_134 = arith.constant 128 : index
        %get3A_135 = tpu.vector_load %arg5[%get3A_133, %get3A_134] {strides = array<i32>} : memref<32x768xf32, #tpu.memory_space<vmem>>, vector<16xf32>,
        %get3A_136 = arith.index_cast %scan3A_95 : i32 to index
        %get3A_137 = arith.constant 144 : index
        %get3A_138 = tpu.vector_load %arg5[%get3A_136, %get3A_137] {strides = array<i32>} : memref<32x768xf32, #tpu.memory_space<vmem>>, vector<16xf32>,
        %pack3A_139 = tpu.pack_subelements %get3A_135, %get3A_138 {pack_format = #tpu.pack_format<interleaved>, positions = array<i32: 0, 1>} : vector<16xf32>, vector<16xf32> -> vector<32xbf16>
        %swap3A_140 = arith.index_cast %scan3A_95 : i32 to index
        %swap3A_141 = arith.constant 128 : index
        %swap3A_142 = tpu.vector_load %arg7[%swap3A_140, %swap3A_141] {strides = array<i32>} : memref<32x768xbf16, #tpu.memory_space<vmem>>, vector<32xbf16>,
        tpu.vector_store %arg7[%swap3A_140, %swap3A_141], %pack3A_139 {strides = array<i32>} : memref<32x768xbf16, #tpu.memory_space<vmem>>, vector<32xbf16>,
        %get3A_143 = arith.index_cast %scan3A_95 : i32 to index
        %get3A_144 = arith.constant 160 : index
        %get3A_145 = tpu.vector_load %arg5[%get3A_143, %get3A_144] {strides = array<i32>} : memref<32x768xf32, #tpu.memory_space<vmem>>, vector<16xf32>,
        %get3A_146 = arith.index_cast %scan3A_95 : i32 to index
        %get3A_147 = arith.constant 176 : index
        %get3A_148 = tpu.vector_load %arg5[%get3A_146, %get3A_147] {strides = array<i32>} : memref<32x768xf32, #tpu.memory_space<vmem>>, vector<16xf32>,
        %pack3A_149 = tpu.pack_subelements %get3A_145, %get3A_148 {pack_format = #tpu.pack_format<interleaved>, positions = array<i32: 0, 1>} : vector<16xf32>, vector<16xf32> -> vector<32xbf16>
        %swap3A_150 = arith.index_cast %scan3A_95 : i32 to index
        %swap3A_151 = arith.constant 160 : index
        %swap3A_152 = tpu.vector_load %arg7[%swap3A_150, %swap3A_151] {strides = array<i32>} : memref<32x768xbf16, #tpu.memory_space<vmem>>, vector<32xbf16>,
        tpu.vector_store %arg7[%swap3A_150, %swap3A_151], %pack3A_149 {strides = array<i32>} : memref<32x768xbf16, #tpu.memory_space<vmem>>, vector<32xbf16>,
        %get3A_153 = arith.index_cast %scan3A_95 : i32 to index
        %get3A_154 = arith.constant 192 : index
        %get3A_155 = tpu.vector_load %arg5[%get3A_153, %get3A_154] {strides = array<i32>} : memref<32x768xf32, #tpu.memory_space<vmem>>, vector<16xf32>,
        %get3A_156 = arith.index_cast %scan3A_95 : i32 to index
        %get3A_157 = arith.constant 208 : index
        %get3A_158 = tpu.vector_load %arg5[%get3A_156, %get3A_157] {strides = array<i32>} : memref<32x768xf32, #tpu.memory_space<vmem>>, vector<16xf32>,
        %pack3A_159 = tpu.pack_subelements %get3A_155, %get3A_158 {pack_format = #tpu.pack_format<interleaved>, positions = array<i32: 0, 1>} : vector<16xf32>, vector<16xf32> -> vector<32xbf16>
        %swap3A_160 = arith.index_cast %scan3A_95 : i32 to index
        %swap3A_161 = arith.constant 192 : index
        %swap3A_162 = tpu.vector_load %arg7[%swap3A_160, %swap3A_161] {strides = array<i32>} : memref<32x768xbf16, #tpu.memory_space<vmem>>, vector<32xbf16>,
        tpu.vector_store %arg7[%swap3A_160, %swap3A_161], %pack3A_159 {strides = array<i32>} : memref<32x768xbf16, #tpu.memory_space<vmem>>, vector<32xbf16>,
        %get3A_163 = arith.index_cast %scan3A_95 : i32 to index
        %get3A_164 = arith.constant 224 : index
        %get3A_165 = tpu.vector_load %arg5[%get3A_163, %get3A_164] {strides = array<i32>} : memref<32x768xf32, #tpu.memory_space<vmem>>, vector<16xf32>,
        %get3A_166 = arith.index_cast %scan3A_95 : i32 to index
        %get3A_167 = arith.constant 240 : index
        %get3A_168 = tpu.vector_load %arg5[%get3A_166, %get3A_167] {strides = array<i32>} : memref<32x768xf32, #tpu.memory_space<vmem>>, vector<16xf32>,
        %pack3A_169 = tpu.pack_subelements %get3A_165, %get3A_168 {pack_format = #tpu.pack_format<interleaved>, positions = array<i32: 0, 1>} : vector<16xf32>, vector<16xf32> -> vector<32xbf16>
        %swap3A_170 = arith.index_cast %scan3A_95 : i32 to index
        %swap3A_171 = arith.constant 224 : index
        %swap3A_172 = tpu.vector_load %arg7[%swap3A_170, %swap3A_171] {strides = array<i32>} : memref<32x768xbf16, #tpu.memory_space<vmem>>, vector<32xbf16>,
        tpu.vector_store %arg7[%swap3A_170, %swap3A_171], %pack3A_169 {strides = array<i32>} : memref<32x768xbf16, #tpu.memory_space<vmem>>, vector<32xbf16>,
        %get3A_173 = arith.index_cast %scan3A_95 : i32 to index
        %get3A_174 = arith.constant 256 : index
        %get3A_175 = tpu.vector_load %arg5[%get3A_173, %get3A_174] {strides = array<i32>} : memref<32x768xf32, #tpu.memory_space<vmem>>, vector<16xf32>,
        %get3A_176 = arith.index_cast %scan3A_95 : i32 to index
        %get3A_177 = arith.constant 272 : index
        %get3A_178 = tpu.vector_load %arg5[%get3A_176, %get3A_177] {strides = array<i32>} : memref<32x768xf32, #tpu.memory_space<vmem>>, vector<16xf32>,
        %pack3A_179 = tpu.pack_subelements %get3A_175, %get3A_178 {pack_format = #tpu.pack_format<interleaved>, positions = array<i32: 0, 1>} : vector<16xf32>, vector<16xf32> -> vector<32xbf16>
        %swap3A_180 = arith.index_cast %scan3A_95 : i32 to index
        %swap3A_181 = arith.constant 256 : index
        %swap3A_182 = tpu.vector_load %arg7[%swap3A_180, %swap3A_181] {strides = array<i32>} : memref<32x768xbf16, #tpu.memory_space<vmem>>, vector<32xbf16>,
        tpu.vector_store %arg7[%swap3A_180, %swap3A_181], %pack3A_179 {strides = array<i32>} : memref<32x768xbf16, #tpu.memory_space<vmem>>, vector<32xbf16>,
        %get3A_183 = arith.index_cast %scan3A_95 : i32 to index
        %get3A_184 = arith.constant 288 : index
        %get3A_185 = tpu.vector_load %arg5[%get3A_183, %get3A_184] {strides = array<i32>} : memref<32x768xf32, #tpu.memory_space<vmem>>, vector<16xf32>,
        %get3A_186 = arith.index_cast %scan3A_95 : i32 to index
        %get3A_187 = arith.constant 304 : index
        %get3A_188 = tpu.vector_load %arg5[%get3A_186, %get3A_187] {strides = array<i32>} : memref<32x768xf32, #tpu.memory_space<vmem>>, vector<16xf32>,
        %pack3A_189 = tpu.pack_subelements %get3A_185, %get3A_188 {pack_format = #tpu.pack_format<interleaved>, positions = array<i32: 0, 1>} : vector<16xf32>, vector<16xf32> -> vector<32xbf16>
        %swap3A_190 = arith.index_cast %scan3A_95 : i32 to index
        %swap3A_191 = arith.constant 288 : index
        %swap3A_192 = tpu.vector_load %arg7[%swap3A_190, %swap3A_191] {strides = array<i32>} : memref<32x768xbf16, #tpu.memory_space<vmem>>, vector<32xbf16>,
        tpu.vector_store %arg7[%swap3A_190, %swap3A_191], %pack3A_189 {strides = array<i32>} : memref<32x768xbf16, #tpu.memory_space<vmem>>, vector<32xbf16>,
        %get3A_193 = arith.index_cast %scan3A_95 : i32 to index
        %get3A_194 = arith.constant 320 : index
        %get3A_195 = tpu.vector_load %arg5[%get3A_193, %get3A_194] {strides = array<i32>} : memref<32x768xf32, #tpu.memory_space<vmem>>, vector<16xf32>,
        %get3A_196 = arith.index_cast %scan3A_95 : i32 to index
        %get3A_197 = arith.constant 336 : index
        %get3A_198 = tpu.vector_load %arg5[%get3A_196, %get3A_197] {strides = array<i32>} : memref<32x768xf32, #tpu.memory_space<vmem>>, vector<16xf32>,
        %pack3A_199 = tpu.pack_subelements %get3A_195, %get3A_198 {pack_format = #tpu.pack_format<interleaved>, positions = array<i32: 0, 1>} : vector<16xf32>, vector<16xf32> -> vector<32xbf16>
        %swap3A_200 = arith.index_cast %scan3A_95 : i32 to index
        %swap3A_201 = arith.constant 320 : index
        %swap3A_202 = tpu.vector_load %arg7[%swap3A_200, %swap3A_201] {strides = array<i32>} : memref<32x768xbf16, #tpu.memory_space<vmem>>, vector<32xbf16>,
        tpu.vector_store %arg7[%swap3A_200, %swap3A_201], %pack3A_199 {strides = array<i32>} : memref<32x768xbf16, #tpu.memory_space<vmem>>, vector<32xbf16>,
        %get3A_203 = arith.index_cast %scan3A_95 : i32 to index
        %get3A_204 = arith.constant 352 : index
        %get3A_205 = tpu.vector_load %arg5[%get3A_203, %get3A_204] {strides = array<i32>} : memref<32x768xf32, #tpu.memory_space<vmem>>, vector<16xf32>,
        %get3A_206 = arith.index_cast %scan3A_95 : i32 to index
        %get3A_207 = arith.constant 368 : index
        %get3A_208 = tpu.vector_load %arg5[%get3A_206, %get3A_207] {strides = array<i32>} : memref<32x768xf32, #tpu.memory_space<vmem>>, vector<16xf32>,
        %pack3A_209 = tpu.pack_subelements %get3A_205, %get3A_208 {pack_format = #tpu.pack_format<interleaved>, positions = array<i32: 0, 1>} : vector<16xf32>, vector<16xf32> -> vector<32xbf16>
        %swap3A_210 = arith.index_cast %scan3A_95 : i32 to index
        %swap3A_211 = arith.constant 352 : index
        %swap3A_212 = tpu.vector_load %arg7[%swap3A_210, %swap3A_211] {strides = array<i32>} : memref<32x768xbf16, #tpu.memory_space<vmem>>, vector<32xbf16>,
        tpu.vector_store %arg7[%swap3A_210, %swap3A_211], %pack3A_209 {strides = array<i32>} : memref<32x768xbf16, #tpu.memory_space<vmem>>, vector<32xbf16>,
        %get3A_213 = arith.index_cast %scan3A_95 : i32 to index
        %get3A_214 = arith.constant 384 : index
        %get3A_215 = tpu.vector_load %arg5[%get3A_213, %get3A_214] {strides = array<i32>} : memref<32x768xf32, #tpu.memory_space<vmem>>, vector<16xf32>,
        %get3A_216 = arith.index_cast %scan3A_95 : i32 to index
        %get3A_217 = arith.constant 400 : index
        %get3A_218 = tpu.vector_load %arg5[%get3A_216, %get3A_217] {strides = array<i32>} : memref<32x768xf32, #tpu.memory_space<vmem>>, vector<16xf32>,
        %pack3A_219 = tpu.pack_subelements %get3A_215, %get3A_218 {pack_format = #tpu.pack_format<interleaved>, positions = array<i32: 0, 1>} : vector<16xf32>, vector<16xf32> -> vector<32xbf16>
        %swap3A_220 = arith.index_cast %scan3A_95 : i32 to index
        %swap3A_221 = arith.constant 384 : index
        %swap3A_222 = tpu.vector_load %arg7[%swap3A_220, %swap3A_221] {strides = array<i32>} : memref<32x768xbf16, #tpu.memory_space<vmem>>, vector<32xbf16>,
        tpu.vector_store %arg7[%swap3A_220, %swap3A_221], %pack3A_219 {strides = array<i32>} : memref<32x768xbf16, #tpu.memory_space<vmem>>, vector<32xbf16>,
        %get3A_223 = arith.index_cast %scan3A_95 : i32 to index
        %get3A_224 = arith.constant 416 : index
        %get3A_225 = tpu.vector_load %arg5[%get3A_223, %get3A_224] {strides = array<i32>} : memref<32x768xf32, #tpu.memory_space<vmem>>, vector<16xf32>,
        %get3A_226 = arith.index_cast %scan3A_95 : i32 to index
        %get3A_227 = arith.constant 432 : index
        %get3A_228 = tpu.vector_load %arg5[%get3A_226, %get3A_227] {strides = array<i32>} : memref<32x768xf32, #tpu.memory_space<vmem>>, vector<16xf32>,
        %pack3A_229 = tpu.pack_subelements %get3A_225, %get3A_228 {pack_format = #tpu.pack_format<interleaved>, positions = array<i32: 0, 1>} : vector<16xf32>, vector<16xf32> -> vector<32xbf16>
        %swap3A_230 = arith.index_cast %scan3A_95 : i32 to index
        %swap3A_231 = arith.constant 416 : index
        %swap3A_232 = tpu.vector_load %arg7[%swap3A_230, %swap3A_231] {strides = array<i32>} : memref<32x768xbf16, #tpu.memory_space<vmem>>, vector<32xbf16>,
        tpu.vector_store %arg7[%swap3A_230, %swap3A_231], %pack3A_229 {strides = array<i32>} : memref<32x768xbf16, #tpu.memory_space<vmem>>, vector<32xbf16>,
        %get3A_233 = arith.index_cast %scan3A_95 : i32 to index
        %get3A_234 = arith.constant 448 : index
        %get3A_235 = tpu.vector_load %arg5[%get3A_233, %get3A_234] {strides = array<i32>} : memref<32x768xf32, #tpu.memory_space<vmem>>, vector<16xf32>,
        %get3A_236 = arith.index_cast %scan3A_95 : i32 to index
        %get3A_237 = arith.constant 464 : index
        %get3A_238 = tpu.vector_load %arg5[%get3A_236, %get3A_237] {strides = array<i32>} : memref<32x768xf32, #tpu.memory_space<vmem>>, vector<16xf32>,
        %pack3A_239 = tpu.pack_subelements %get3A_235, %get3A_238 {pack_format = #tpu.pack_format<interleaved>, positions = array<i32: 0, 1>} : vector<16xf32>, vector<16xf32> -> vector<32xbf16>
        %swap3A_240 = arith.index_cast %scan3A_95 : i32 to index
        %swap3A_241 = arith.constant 448 : index
        %swap3A_242 = tpu.vector_load %arg7[%swap3A_240, %swap3A_241] {strides = array<i32>} : memref<32x768xbf16, #tpu.memory_space<vmem>>, vector<32xbf16>,
        tpu.vector_store %arg7[%swap3A_240, %swap3A_241], %pack3A_239 {strides = array<i32>} : memref<32x768xbf16, #tpu.memory_space<vmem>>, vector<32xbf16>,
        %get3A_243 = arith.index_cast %scan3A_95 : i32 to index
        %get3A_244 = arith.constant 480 : index
        %get3A_245 = tpu.vector_load %arg5[%get3A_243, %get3A_244] {strides = array<i32>} : memref<32x768xf32, #tpu.memory_space<vmem>>, vector<16xf32>,
        %get3A_246 = arith.index_cast %scan3A_95 : i32 to index
        %get3A_247 = arith.constant 496 : index
        %get3A_248 = tpu.vector_load %arg5[%get3A_246, %get3A_247] {strides = array<i32>} : memref<32x768xf32, #tpu.memory_space<vmem>>, vector<16xf32>,
        %pack3A_249 = tpu.pack_subelements %get3A_245, %get3A_248 {pack_format = #tpu.pack_format<interleaved>, positions = array<i32: 0, 1>} : vector<16xf32>, vector<16xf32> -> vector<32xbf16>
        %swap3A_250 = arith.index_cast %scan3A_95 : i32 to index
        %swap3A_251 = arith.constant 480 : index
        %swap3A_252 = tpu.vector_load %arg7[%swap3A_250, %swap3A_251] {strides = array<i32>} : memref<32x768xbf16, #tpu.memory_space<vmem>>, vector<32xbf16>,
        tpu.vector_store %arg7[%swap3A_250, %swap3A_251], %pack3A_249 {strides = array<i32>} : memref<32x768xbf16, #tpu.memory_space<vmem>>, vector<32xbf16>,
        %get3A_253 = arith.index_cast %scan3A_95 : i32 to index
        %get3A_254 = arith.constant 512 : index
        %get3A_255 = tpu.vector_load %arg5[%get3A_253, %get3A_254] {strides = array<i32>} : memref<32x768xf32, #tpu.memory_space<vmem>>, vector<16xf32>,
        %get3A_256 = arith.index_cast %scan3A_95 : i32 to index
        %get3A_257 = arith.constant 528 : index
        %get3A_258 = tpu.vector_load %arg5[%get3A_256, %get3A_257] {strides = array<i32>} : memref<32x768xf32, #tpu.memory_space<vmem>>, vector<16xf32>,
        %pack3A_259 = tpu.pack_subelements %get3A_255, %get3A_258 {pack_format = #tpu.pack_format<interleaved>, positions = array<i32: 0, 1>} : vector<16xf32>, vector<16xf32> -> vector<32xbf16>
        %swap3A_260 = arith.index_cast %scan3A_95 : i32 to index
        %swap3A_261 = arith.constant 512 : index
        %swap3A_262 = tpu.vector_load %arg7[%swap3A_260, %swap3A_261] {strides = array<i32>} : memref<32x768xbf16, #tpu.memory_space<vmem>>, vector<32xbf16>,
        tpu.vector_store %arg7[%swap3A_260, %swap3A_261], %pack3A_259 {strides = array<i32>} : memref<32x768xbf16, #tpu.memory_space<vmem>>, vector<32xbf16>,
        %get3A_263 = arith.index_cast %scan3A_95 : i32 to index
        %get3A_264 = arith.constant 544 : index
        %get3A_265 = tpu.vector_load %arg5[%get3A_263, %get3A_264] {strides = array<i32>} : memref<32x768xf32, #tpu.memory_space<vmem>>, vector<16xf32>,
        %get3A_266 = arith.index_cast %scan3A_95 : i32 to index
        %get3A_267 = arith.constant 560 : index
        %get3A_268 = tpu.vector_load %arg5[%get3A_266, %get3A_267] {strides = array<i32>} : memref<32x768xf32, #tpu.memory_space<vmem>>, vector<16xf32>,
        %pack3A_269 = tpu.pack_subelements %get3A_265, %get3A_268 {pack_format = #tpu.pack_format<interleaved>, positions = array<i32: 0, 1>} : vector<16xf32>, vector<16xf32> -> vector<32xbf16>
        %swap3A_270 = arith.index_cast %scan3A_95 : i32 to index
        %swap3A_271 = arith.constant 544 : index
        %swap3A_272 = tpu.vector_load %arg7[%swap3A_270, %swap3A_271] {strides = array<i32>} : memref<32x768xbf16, #tpu.memory_space<vmem>>, vector<32xbf16>,
        tpu.vector_store %arg7[%swap3A_270, %swap3A_271], %pack3A_269 {strides = array<i32>} : memref<32x768xbf16, #tpu.memory_space<vmem>>, vector<32xbf16>,
        %get3A_273 = arith.index_cast %scan3A_95 : i32 to index
        %get3A_274 = arith.constant 576 : index
        %get3A_275 = tpu.vector_load %arg5[%get3A_273, %get3A_274] {strides = array<i32>} : memref<32x768xf32, #tpu.memory_space<vmem>>, vector<16xf32>,
        %get3A_276 = arith.index_cast %scan3A_95 : i32 to index
        %get3A_277 = arith.constant 592 : index
        %get3A_278 = tpu.vector_load %arg5[%get3A_276, %get3A_277] {strides = array<i32>} : memref<32x768xf32, #tpu.memory_space<vmem>>, vector<16xf32>,
        %pack3A_279 = tpu.pack_subelements %get3A_275, %get3A_278 {pack_format = #tpu.pack_format<interleaved>, positions = array<i32: 0, 1>} : vector<16xf32>, vector<16xf32> -> vector<32xbf16>
        %swap3A_280 = arith.index_cast %scan3A_95 : i32 to index
        %swap3A_281 = arith.constant 576 : index
        %swap3A_282 = tpu.vector_load %arg7[%swap3A_280, %swap3A_281] {strides = array<i32>} : memref<32x768xbf16, #tpu.memory_space<vmem>>, vector<32xbf16>,
        tpu.vector_store %arg7[%swap3A_280, %swap3A_281], %pack3A_279 {strides = array<i32>} : memref<32x768xbf16, #tpu.memory_space<vmem>>, vector<32xbf16>,
        %get3A_283 = arith.index_cast %scan3A_95 : i32 to index
        %get3A_284 = arith.constant 608 : index
        %get3A_285 = tpu.vector_load %arg5[%get3A_283, %get3A_284] {strides = array<i32>} : memref<32x768xf32, #tpu.memory_space<vmem>>, vector<16xf32>,
        %get3A_286 = arith.index_cast %scan3A_95 : i32 to index
        %get3A_287 = arith.constant 624 : index
        %get3A_288 = tpu.vector_load %arg5[%get3A_286, %get3A_287] {strides = array<i32>} : memref<32x768xf32, #tpu.memory_space<vmem>>, vector<16xf32>,
        %pack3A_289 = tpu.pack_subelements %get3A_285, %get3A_288 {pack_format = #tpu.pack_format<interleaved>, positions = array<i32: 0, 1>} : vector<16xf32>, vector<16xf32> -> vector<32xbf16>
        %swap3A_290 = arith.index_cast %scan3A_95 : i32 to index
        %swap3A_291 = arith.constant 608 : index
        %swap3A_292 = tpu.vector_load %arg7[%swap3A_290, %swap3A_291] {strides = array<i32>} : memref<32x768xbf16, #tpu.memory_space<vmem>>, vector<32xbf16>,
        tpu.vector_store %arg7[%swap3A_290, %swap3A_291], %pack3A_289 {strides = array<i32>} : memref<32x768xbf16, #tpu.memory_space<vmem>>, vector<32xbf16>,
        %get3A_293 = arith.index_cast %scan3A_95 : i32 to index
        %get3A_294 = arith.constant 640 : index
        %get3A_295 = tpu.vector_load %arg5[%get3A_293, %get3A_294] {strides = array<i32>} : memref<32x768xf32, #tpu.memory_space<vmem>>, vector<16xf32>,
        %get3A_296 = arith.index_cast %scan3A_95 : i32 to index
        %get3A_297 = arith.constant 656 : index
        %get3A_298 = tpu.vector_load %arg5[%get3A_296, %get3A_297] {strides = array<i32>} : memref<32x768xf32, #tpu.memory_space<vmem>>, vector<16xf32>,
        %pack3A_299 = tpu.pack_subelements %get3A_295, %get3A_298 {pack_format = #tpu.pack_format<interleaved>, positions = array<i32: 0, 1>} : vector<16xf32>, vector<16xf32> -> vector<32xbf16>
        %swap3A_300 = arith.index_cast %scan3A_95 : i32 to index
        %swap3A_301 = arith.constant 640 : index
        %swap3A_302 = tpu.vector_load %arg7[%swap3A_300, %swap3A_301] {strides = array<i32>} : memref<32x768xbf16, #tpu.memory_space<vmem>>, vector<32xbf16>,
        tpu.vector_store %arg7[%swap3A_300, %swap3A_301], %pack3A_299 {strides = array<i32>} : memref<32x768xbf16, #tpu.memory_space<vmem>>, vector<32xbf16>,
        %get3A_303 = arith.index_cast %scan3A_95 : i32 to index
        %get3A_304 = arith.constant 672 : index
        %get3A_305 = tpu.vector_load %arg5[%get3A_303, %get3A_304] {strides = array<i32>} : memref<32x768xf32, #tpu.memory_space<vmem>>, vector<16xf32>,
        %get3A_306 = arith.index_cast %scan3A_95 : i32 to index
        %get3A_307 = arith.constant 688 : index
        %get3A_308 = tpu.vector_load %arg5[%get3A_306, %get3A_307] {strides = array<i32>} : memref<32x768xf32, #tpu.memory_space<vmem>>, vector<16xf32>,
        %pack3A_309 = tpu.pack_subelements %get3A_305, %get3A_308 {pack_format = #tpu.pack_format<interleaved>, positions = array<i32: 0, 1>} : vector<16xf32>, vector<16xf32> -> vector<32xbf16>
        %swap3A_310 = arith.index_cast %scan3A_95 : i32 to index
        %swap3A_311 = arith.constant 672 : index
        %swap3A_312 = tpu.vector_load %arg7[%swap3A_310, %swap3A_311] {strides = array<i32>} : memref<32x768xbf16, #tpu.memory_space<vmem>>, vector<32xbf16>,
        tpu.vector_store %arg7[%swap3A_310, %swap3A_311], %pack3A_309 {strides = array<i32>} : memref<32x768xbf16, #tpu.memory_space<vmem>>, vector<32xbf16>,
        %get3A_313 = arith.index_cast %scan3A_95 : i32 to index
        %get3A_314 = arith.constant 704 : index
        %get3A_315 = tpu.vector_load %arg5[%get3A_313, %get3A_314] {strides = array<i32>} : memref<32x768xf32, #tpu.memory_space<vmem>>, vector<16xf32>,
        %get3A_316 = arith.index_cast %scan3A_95 : i32 to index
        %get3A_317 = arith.constant 720 : index
        %get3A_318 = tpu.vector_load %arg5[%get3A_316, %get3A_317] {strides = array<i32>} : memref<32x768xf32, #tpu.memory_space<vmem>>, vector<16xf32>,
        %pack3A_319 = tpu.pack_subelements %get3A_315, %get3A_318 {pack_format = #tpu.pack_format<interleaved>, positions = array<i32: 0, 1>} : vector<16xf32>, vector<16xf32> -> vector<32xbf16>
        %swap3A_320 = arith.index_cast %scan3A_95 : i32 to index
        %swap3A_321 = arith.constant 704 : index
        %swap3A_322 = tpu.vector_load %arg7[%swap3A_320, %swap3A_321] {strides = array<i32>} : memref<32x768xbf16, #tpu.memory_space<vmem>>, vector<32xbf16>,
        tpu.vector_store %arg7[%swap3A_320, %swap3A_321], %pack3A_319 {strides = array<i32>} : memref<32x768xbf16, #tpu.memory_space<vmem>>, vector<32xbf16>,
        %get3A_323 = arith.index_cast %scan3A_95 : i32 to index
        %get3A_324 = arith.constant 736 : index
        %get3A_325 = tpu.vector_load %arg5[%get3A_323, %get3A_324] {strides = array<i32>} : memref<32x768xf32, #tpu.memory_space<vmem>>, vector<16xf32>,
        %get3A_326 = arith.index_cast %scan3A_95 : i32 to index
        %get3A_327 = arith.constant 752 : index
        %get3A_328 = tpu.vector_load %arg5[%get3A_326, %get3A_327] {strides = array<i32>} : memref<32x768xf32, #tpu.memory_space<vmem>>, vector<16xf32>,
        %pack3A_329 = tpu.pack_subelements %get3A_325, %get3A_328 {pack_format = #tpu.pack_format<interleaved>, positions = array<i32: 0, 1>} : vector<16xf32>, vector<16xf32> -> vector<32xbf16>
        %swap3A_330 = arith.index_cast %scan3A_95 : i32 to index
        %swap3A_331 = arith.constant 736 : index
        %swap3A_332 = tpu.vector_load %arg7[%swap3A_330, %swap3A_331] {strides = array<i32>} : memref<32x768xbf16, #tpu.memory_space<vmem>>, vector<32xbf16>,
        tpu.vector_store %arg7[%swap3A_330, %swap3A_331], %pack3A_329 {strides = array<i32>} : memref<32x768xbf16, #tpu.memory_space<vmem>>, vector<32xbf16>,
      }
      %scan3A_85 = arith.constant 32 : i32
      %mul3A_86 = arith.constant 32 : i32
      %mul3A_87 = arith.muli %add3A_61, %mul3A_86 : i32
      %add3A_88 = arith.addi %mul3A_2, %mul3A_87 : i32
      %min3A_89 = arith.constant 30490 : i32
      %min3A_90 = arith.minsi %add3A_88, %min3A_89 : i32
      %dma_start3A_91 = arith.constant 0 : i32
      %dma_start3A_92 = tpu.memref_slice %arg3[%min3A_90, %dma_start3A_91] : memref<30522x768xbf16, #tpu.memory_space<hbm>> -> memref<32x768xbf16, #tpu.memory_space<hbm>>
      %dma_start3A_93 = arith.constant 0 : i32
      %dma_start3A_94 = tpu.memref_slice %arg3[%min3A_90, %dma_start3A_93] : memref<30522x768xbf16, #tpu.memory_space<hbm>> -> memref<32x768xbf16, #tpu.memory_space<hbm>>
      tpu.enqueue_dma source(%arg7 : memref<32x768xbf16, #tpu.memory_space<vmem>>) target(%dma_start3A_94 : memref<32x768xbf16, #tpu.memory_space<hbm>>) target_semaphore(%arg11 : memref<!tpu.dma_semaphore, #tpu.memory_space<semaphore_mem>>)
    }
    %scan3A_12 = arith.constant 15 : i32
    %dma_wait3A = arith.constant 0 : i32
    %dma_wait3A_13 = arith.constant 0 : i32
    %dma_wait3A_14 = tpu.memref_slice %arg3[%dma_wait3A, %dma_wait3A_13] : memref<30522x768xbf16, #tpu.memory_space<hbm>> -> memref<32x768xbf16, #tpu.memory_space<hbm>>
    %dma_wait3A_15 = arith.constant 0 : i32
    %dma_wait3A_16 = arith.constant 0 : i32
    %dma_wait3A_17 = tpu.memref_slice %arg3[%dma_wait3A_15, %dma_wait3A_16] : memref<30522x768xbf16, #tpu.memory_space<hbm>> -> memref<32x768xbf16, #tpu.memory_space<hbm>>
    tpu.wait_dma2 semaphore(%arg10 : memref<!tpu.dma_semaphore, #tpu.memory_space<semaphore_mem>>) src(%arg6 : memref<32x768xbf16, #tpu.memory_space<vmem>>) dst(%dma_wait3A_17 : memref<32x768xbf16, #tpu.memory_space<hbm>>)
    %dma_wait3A_18 = arith.constant 0 : i32
    %dma_wait3A_19 = arith.constant 0 : i32
    %dma_wait3A_20 = tpu.memref_slice %arg3[%dma_wait3A_18, %dma_wait3A_19] : memref<30522x768xbf16, #tpu.memory_space<hbm>> -> memref<32x768xbf16, #tpu.memory_space<hbm>>
    %dma_wait3A_21 = arith.constant 0 : i32
    %dma_wait3A_22 = arith.constant 0 : i32
    %dma_wait3A_23 = tpu.memref_slice %arg3[%dma_wait3A_21, %dma_wait3A_22] : memref<30522x768xbf16, #tpu.memory_space<hbm>> -> memref<32x768xbf16, #tpu.memory_space<hbm>>
    tpu.wait_dma2 semaphore(%arg11 : memref<!tpu.dma_semaphore, #tpu.memory_space<semaphore_mem>>) src(%arg7 : memref<32x768xbf16, #tpu.memory_space<vmem>>) dst(%dma_wait3A_23 : memref<32x768xbf16, #tpu.memory_space<hbm>>)
    return
  }
}

</mosaic_0001>

<sc_bundles>
// kernel: _sc_cast.3.cloned.1.call-start
scs
__scs_entry_jumppad:
0x0: {  	(pc) =	sbr.rel $0x88, $3  }
0x1: {  	(tag) =	ssettag $0x0;
	lr =	simm.s32 $0x1  }
0x2: {  	[smem:$0x3FA0] =	sst lr;
	_ =	strace $0xD0000000  }
0x3: {  	_ = 	snop  }
0x4: {  	_ = 	snop  }
0x5: {  	_ = 	snop  }
0x6: {  	_ = 	snop  }
0x7: {  	_ = 	snop  }
__scs_overlays_trampoline_lowered:
0x8: {  	[smem:$0x3FAF] =	sst s0  }
0x9: {  	[smem:$0x3FB0] =	sst s1  }
0xa: {  	[smem:$0x3FB1] =	sst s2  }
0xb: {  	[smem:$0x3FB2] =	sst s3  }
0xc: {  	[smem:$0x3FB3] =	sst s4  }
0xd: {  	[smem:$0x3FB4] =	sst s5  }
0xe: {  	[smem:$0x3FB5] =	sst s6  }
0xf: {  	[smem:$0x3FB6] =	sst s7  }
0x10: {  	[smem:$0x3FB7] =	sst s8  }
0x11: {  	[smem:$0x3FB8] =	sst s9;
	s0 =	simm.s32 @!p0 $0x0  }
0x12: {  	s1 =	sld [smem:$0x3F9E];
	s0 =	simm.s32 @p0 $0x1  }
0x13: {  	[smem:$0x3FB9] =	sst s0;
	s0 =	simm.s32 @!p1 $0x0  }
0x14: {  	s2 =	sld [smem:$0x3F9D];
	s0 =	simm.s32 @p1 $0x1  }
0x15: {  	[smem:$0x3FBA] =	sst s0;
	s0 =	simm.s32 @!p2 $0x0  }
0x16: {  	s3 =	sld [smem:$0x3FDB];
	s0 =	simm.s32 @p2 $0x1  }
0x17: {  	s4 =	simm.s32 $0x1BF5;
	[smem:$0x3FBC] =	sst s0  }
0x18: {  	s0 =	sld [smem:$0x3F9F];
	_ =	swait.ge [sflag:s4], $0x0  }
0x19: {  	s7 =	sld [smem:$0x3FA0]  }
0x1a: {  	s8 =	sadd.s32 $0xFFFFE003, lr  }
0x1b: {  	s9 =	sadd.s32 $0xFFFFFEF7, lr;
	s5 =	simm.s32 $0xFFFFFFFF;
	p2 =	slt.u32 s8, $0xFFFFF086  }
0x1c: {  	p1 =	slt.u32 s9, $0xF7A;
	s5 =	simm.s32 @!p2 $0x0  }
0x1d: {  	s5 =	simm.s32 @p1 $0x1;
	p0 =	seq.s32 s7, s2  }
0x1e: {  	s7 =	smul.u32 @!p0 $0xF7A, s2;
	p2 =	seq.s32 @!p0 s5, $0x0  }
0x1f: {  	s9 =	smul.u32 $0xF7A, s1;
	s8 =	simm.s32 @!p0 $0x1BF5;
	p2 =	por !p2, p0  }
0x20: {  	[sflag:s8] =	ssyncset.s32 @!p0 $0xFFFFF086;
	s6 =	sadd.s32 @!p0 s3, s7;
	s7 =	simm.s32 @!p0 $0x108  }
0x21: {  	s3 =	sadd.s32 s3, s9;
	s6 =	sadd.s32 @!p0 $0x88, s6;
	s7 =	simm.s32 @p2 $0x1082  }
0x22: {  	[simem:s7], [sflag:s8] =	dma.local @!p0 [hbm:s6], $0xF7A  }
0x23: {  	s9 =	sor.u32 $0xD0000000, s2;
	s6 =	simm.s32 $0x108;
	_ =	swait.ge @!p0 [sflag:s8], $0x0  }
0x24: {  	s3 =	sadd.s32 $0x88, s3;
	s6 =	simm.s32 @!p1 $0x1082;
	[sflag:s4] =	ssyncset.s32 $0xFFFFF086  }
0x25: {  	[simem:s6], [sflag:s4] =	dma.local [hbm:s3], $0xF7A  }
0x26: {  	[smem:$0x3FA0] =	sst s1;
	(tag) =	ssettag s2;
	_ =	strace s9  }
0x27: {  	s1 =	sld [smem:$0x3FB0]  }
0x28: {  	s2 =	sld [smem:$0x3FB1]  }
0x29: {  	s4 =	sld [smem:$0x3FB3]  }
0x2a: {  	p0 =	seq.s32 s5, $0x0;
	s5 =	sld [smem:$0x3FB4]  }
0x2b: {  	s6 =	sld [smem:$0x3FB5]  }
0x2c: {  	s7 =	sld [smem:$0x3FB6]  }
0x2d: {  	s3 =	simm.s32 $0x108;
	s8 =	sld [smem:$0x3FB7]  }
0x2e: {  	s3 =	simm.s32 @!p0 $0x1082;
	s9 =	sld [smem:$0x3FB8]  }
0x2f: {  	lr =	sadd.s32 s0, s3;
	s0 =	sld [smem:$0x3FAF]  }
0x30: {  	s3 =	sld [smem:$0x3FB2]  }
0x31: {  	[smem:$0x3FBB] =	sst s10  }
0x32: {  	s10 =	sld [smem:$0x3FB9];
	_ =	sdelay $0x3  }
0x33: {  	p0 =	seq.s32 s10, $0x1;
	s10 =	sld [smem:$0x3FBB];
	_ =	sdelay $0x3  }
0x34: {  	[smem:$0x3FBB] =	sst s10  }
0x35: {  	s10 =	sld [smem:$0x3FBA];
	_ =	sdelay $0x3  }
0x36: {  	p1 =	seq.s32 s10, $0x1;
	s10 =	sld [smem:$0x3FBB];
	_ =	sdelay $0x3  }
0x37: {  	[smem:$0x3FBB] =	sst s10  }
0x38: {  	s10 =	sld [smem:$0x3FBC]  }
0x39: {  	_ = 	snop;
	(pc) =	sbr.ind lr, $3  }
0x3a: {  	_ = 	snop  }
0x3b: {  	_ = 	snop  }
0x3c: {  	p2 =	seq.s32 s10, $0x1;
	s10 =	sld [smem:$0x3FBB]  }
0x3d: {  	_ =	shalt  }
0x3e: {  	_ =	shalt  }
0x3f: {  	_ =	shalt  }
0x40: {  	_ =	shalt  }
0x41: {  	_ =	shalt  }
0x42: {  	_ =	shalt  }
0x43: {  	_ =	shalt  }
0x44: {  	_ =	shalt  }
0x45: {  	_ =	shalt  }
0x46: {  	_ =	shalt  }
0x47: {  	_ =	shalt  }
0x48: {  	_ =	shalt  }
0x49: {  	_ =	shalt  }
0x4a: {  	_ =	shalt  }
0x4b: {  	_ =	shalt  }
0x4c: {  	_ =	shalt  }
0x4d: {  	_ =	shalt  }
0x4e: {  	_ =	shalt  }
0x4f: {  	_ =	shalt  }
0x50: {  	_ =	shalt  }
0x51: {  	_ =	shalt  }
0x52: {  	_ =	shalt  }
0x53: {  	_ =	shalt  }
0x54: {  	_ =	shalt  }
0x55: {  	_ =	shalt  }
0x56: {  	_ =	shalt  }
0x57: {  	_ =	shalt  }
0x58: {  	_ =	shalt  }
0x59: {  	_ =	shalt  }
0x5a: {  	_ =	shalt  }
0x5b: {  	_ =	shalt  }
0x5c: {  	_ =	shalt  }
0x5d: {  	_ =	shalt  }
0x5e: {  	_ =	shalt  }
0x5f: {  	_ =	shalt  }
0x60: {  	_ =	shalt  }
0x61: {  	_ =	shalt  }
0x62: {  	_ =	shalt  }
0x63: {  	_ =	shalt  }
0x64: {  	_ =	shalt  }
0x65: {  	_ =	shalt  }
0x66: {  	_ =	shalt  }
0x67: {  	_ =	shalt  }
0x68: {  	_ =	shalt  }
0x69: {  	_ =	shalt  }
0x6a: {  	_ =	shalt  }
0x6b: {  	_ =	shalt  }
0x6c: {  	_ =	shalt  }
0x6d: {  	_ =	shalt  }
0x6e: {  	_ =	shalt  }
0x6f: {  	_ =	shalt  }
0x70: {  	_ =	shalt  }
0x71: {  	_ =	shalt  }
0x72: {  	_ =	shalt  }
0x73: {  	_ =	shalt  }
0x74: {  	_ =	shalt  }
0x75: {  	_ =	shalt  }
0x76: {  	_ =	shalt  }
0x77: {  	_ =	shalt  }
0x78: {  	_ =	shalt  }
0x79: {  	_ =	shalt  }
0x7a: {  	_ =	shalt  }
0x7b: {  	_ =	shalt  }
0x7c: {  	_ =	shalt  }
0x7d: {  	_ =	shalt  }
0x7e: {  	_ =	shalt  }
0x7f: {  	_ =	shalt  }
0x80: {  	_ =	shalt  }
0x81: {  	_ =	shalt  }
0x82: {  	_ =	shalt  }
0x83: {  	_ =	shalt  }
0x84: {  	_ =	shalt  }
0x85: {  	_ =	shalt  }
0x86: {  	_ =	shalt  }
0x87: {  	_ =	shalt  }
.Lfunc_end0:
.L_simem_size_0:
called_computation_lowered:
.L_overlay_start_0:
0x88: {  	s2 =	sld [smem:$0x3FD9]  }
0x89: {  	s3 =	sld [smem:$0x3FFE];
	_ =	sdelay $0x1  }
0x8a: {  	s1 =	srdreg.scid  }
0x8b: {  	s0 =	sand.u32 $0x1, s1  }
0x8c: {  	s16 =	sshll.u32 s0, $0xA;
	s2 =	sadd.s32 s3, s2  }
0x8d: {  	s2 =	sadd.s32 s2, s16  }
0x8e: {  	[smem:$0x3FC7] =	sst s2  }
0x8f: {  	_ = 	snop  }
0x90: {  	(tm) =	ssettm $0x1  }
0x91: {  	s17 =	sld [smem:$0x3FFB];
	_ =	sdelay $0x3  }
0x92: {  	_ =	strace s17  }
0x93: {  	s2 =	sld [smem:$0x3FFC];
	_ =	sdelay $0x3  }
0x94: {  	_ =	strace s2  }
0x95: {  	s2 =	sld [smem:$0x3FFD];
	_ =	sdelay $0x3  }
0x96: {  	_ =	strace s2  }
0x97: {  	_ =	strace $0x8FFFFFFF  }
0x98: {  	s18 =	sld [smem:$0x3FDB];
	_ =	sdelay $0x1  }
0x99: {  	s19 =	simm.s32 $_scs_section_size  }
0x9a: {  	s4 =	simm.s32 $_size__tile_overlayer_lowered;
	s5 =	simm.s32 $_tile_overlayer_lowered  }
0x9b: {  	s22 =	simm.s32 $0x1BFF;
	s21 =	sshll.u32 s5, $0x1;
	s2 =	sadd.s32 s19, s18  }
0x9c: {  	s6 =	simm.s32 $0x0;
	s20 =	sshll.u32 s4, $0x1;
	s4 =	sadd.s32 s21, s2  }
0x9d: {  	[timem:s6], [sflag:s22] =	dma.local [hbm:s4], s20  }
0x9e: {  	_ =	swait.ge [sflag:s22], s20  }
0x9f: {  	s3 =	ssub.s32 $0x0, s20;
	[sflag:s22] =	ssyncset.done $0x0  }
0xa0: {  	[sflag:s22] =	ssyncadd.s32 s3;
	_ =	sdelay $0x1  }
0xa1: {  	s23 =	simm.s32 $0x1B8B  }
0xa2: {  	_ =	swait.ge [sflag:s23], $0x1  }
0xa3: {  	[sflag:s23] =	ssyncset.done $0x0  }
0xa4: {  	s25 =	simm.s32 $0x1B8E;
	s24 =	sld [smem:$0x3FFE];
	[sflag:s23] =	ssyncadd.s32 $0xFFFFFFFF  }
0xa5: {  	s26 =	simm.s32 $execute0_lowered;
	[smem:$0x3FD2] =	sst s25  }
0xa6: {  	s4 =	sshll.u32 s26, $0x1;
	_ =	strace $0x80000046;
	[dreg:$0x1] =	wrdreg $0xFFFFFFFF  }
0xa7: {  	s28 =	simm.s32 $_size_execute0_lowered;
	s2 =	sadd.s32 s2, s4;
	[dreg:$0x0] =	wrdreg $0x0  }
0xa8: {  	s4 =	sshll.u32 s28, $0x1;
	[dreg:$0x2] =	wrdreg s2  }
0xa9: {  	[dreg:$0x3] =	wrdreg s4  }
0xaa: {  	[dreg:$0x4] =	wrdreg $0xC0  }
0xab: {  	_ =	task [dreg:s6], $0x5FFFF  }
0xac: {  	[dreg:$0x1] =	wrdreg $0xFFFFFFFF  }
0xad: {  	[dreg:$0x0] =	wrdreg $0x60  }
0xae: {  	[dreg:$0x2] =	wrdreg s24  }
0xaf: {  	[dreg:$0x3] =	wrdreg $0x9  }
0xb0: {  	_ =	task.clear_ibuf [dreg:s6], $0x4FFFF;
	_ =	strace $0x90000046  }
0xb1: {  	s29 =	simm.s32 $0x9;
	_ =	strace $0x80000048  }
0xb2: {  	_ =	swait.ge [sflag:s29], $0x1  }
0xb3: {  	[sflag:s29] =	ssyncadd.s32 $0xFFFFFFFF  }
0xb4: {  	_ =	strace $0x90000048  }
0xb5: {  	_ =	sfence  }
0xb6: {  	s30 =	sld [smem:$0x0];
	_ =	sdelay $0x2  }
0xb7: {  	s31 =	sshll.u32 s1, $0xD;
	s1 =	sshrl.u32 s1, $0x2  }
0xb8: {  	s3 =	sand.u32 $0x4000, s31;
	s1 =	sadd.s32 s1, s30  }
0xb9: {  	s0 =	sor.u32 s3, s0;
	s1 =	sshll.u32 s1, $0x11  }
0xba: {  	s0 =	sor.u32 s1, s0  }
0xbb: {  	s0 =	sadd.s32 $0x8F2B, s0  }
0xbc: {  	[sflag:s0] =	ssyncadd.remote.s32 $0x1  }
0xbd: {  	_ =	sfence.sel $0xFFFF  }
0xbe: {  	[dreg:$0x0] =	wrdreg $0xFFFFFFFF;
	(pc) =	sbr.abs _section_cstart, $3  }
0xbf: {  	[dreg:$0x1] =	wrdreg $0xFFFFFFFF  }
0xc0: {  	_ =	task.clear_ibuf [dreg:s6], $0x2FFFF;
	_ =	strace $0x9FFFFFFF  }
0xc1: {  	(tm) =	ssettm $0x7FFFFFFF  }
tec
execute0_lowered:
.L_overlay_start_1:
0x0: {  	(tag) =	ssettag $0x1  }
0x1: {  	s1 =	srdreg.scid;
	s0 =	stileid.u32  }
0x2: {  	s5 =	rddreg [dreg:$0x0];
	s2 =	simm.s32 $0x0;
	s10 =	simm.s32 $0x6000  }
0x3: {  	s11 =	simm.s32 $0x1;
	s12 =	simm.s32 $0xC000;
	s13 =	simm.s32 $0x2  }
0x4: {  	s14 =	simm.s32 $0x4;
	s15 =	simm.s32 $0xF000;
	s16 =	simm.s32 $0x3  }
0x5: {  	s3 =	sand.u32 $0x1, s1;
	s4 =	sshll.u32 s0, $0x1;
	s1 =	rddreg [dreg:$0x1]  }
0x6: {  	s17 =	simm.s32 $0x0;
	[smem:$0x7FF] =	sst s2;
	s4 =	sor.u32 s3, s4  }
0x7: {  	s6 =	ssub.s32 $0x2, s3;
	_ =	strace $0x80000047;
	s8 =	smul.u32 $0x165C0, s4  }
0x8: {  	s3 =	smul.u32 $0x3BA, s4;
	s7 =	sshrl.u32 s6, $0x1;
	s4 =	sadd.s32 $0x400, s5  }
0x9: {  	s5 =	sadd.s32 $0x2CBA00, s5;
	s9 =	ssub.s32 s6, s7;
	s6 =	sadd.s32 s4, s8  }
0xa: {  	s7 =	sadd.s32 $0x20, s3;
	s8 =	sadd.s32 $0x40, s3;
	s9 =	smax.u32 s9, $0x1  }
.LBB2_1:
0xb: {  	[tilespmem:s2], [sflag:$0x1] =	stream.linear.gather [hbm4b:s6+s2], $0x6000, $0x38;
	[tilespmem:$0x12000] =	vst v63  }
0xc: {  	s18 =	simm.s32 $0x0  }
.LBB2_2:
0xd: {  	s20 =	sshll.u32 s18, $0x6  }
0xe: {  	s19 =	sadd.s32 s20, s7  }
0xf: {  	s19 =	smin.u32 s19, $0x771A  }
0x10: {  	s21 =	smul.u32 $0x60, s19;
	_ =	sdelay $0x1  }
0x11: {  	s21 =	sadd.s32 s4, s21  }
0x12: {  	[tilespmem:s10], [sflag:$0x2] =	stream.linear.gather [hbm4b:s21+s2], $0x6000, $0x38;
	[tilespmem:$0x12000] =	vst v63  }
0x13: {  	_ =	swait.ge [sflag:s11], $0x6000  }
0x14: {  	p0 =	seq.s32 s18, $0x0;
	[sflag:s11] =	ssyncset.done $0x0  }
0x15: {  	s21 =	simm.s32 @!p0 $0x3;
	[sflag:s11] =	ssyncadd.s32 $0xFFFFA000  }
0x16: {  	_ =	swait.ge @!p0 [sflag:s21], $0x3000  }
0x17: {  	[sflag:s21] =	ssyncset.done @!p0 $0x0  }
0x18: {  	[sflag:s21] =	ssyncadd.s32 @!p0 $0xFFFFD000;
	s21 =	simm.s32 $0x180  }
0x19: {  	v0 =	vld [tilespmem:s21+$0xFFFFFE80]  }
0x1a: {  	v1 =	vld [tilespmem:s21+$0xFFFFFE90];
	_ =	sdelay $0x4  }
0x1b: {  	s22 =	simm.s32 $0x170;
	v0 =	vpack.i.f32.bf16 v1, v0  }
0x1c: {  	[tilespmem:s22+$0xBE90] =	vst v0  }
0x1d: {  	v0 =	vld [tilespmem:s21+$0xFFFFFEA0]  }
0x1e: {  	v44 =	vld [tilespmem:s21+$0xFFFFFEB0];
	_ =	sdelay $0x4  }
0x1f: {  	v0 =	vpack.i.f32.bf16 v44, v0  }
0x20: {  	[tilespmem:s22+$0xBEA0] =	vst v0  }
0x21: {  	v0 =	vld [tilespmem:s21+$0xFFFFFEC0]  }
0x22: {  	v45 =	vld [tilespmem:s21+$0xFFFFFED0];
	_ =	sdelay $0x4  }
0x23: {  	v0 =	vpack.i.f32.bf16 v45, v0  }
0x24: {  	[tilespmem:s22+$0xBEB0] =	vst v0  }
0x25: {  	v0 =	vld [tilespmem:s21+$0xFFFFFEE0]  }
0x26: {  	v46 =	vld [tilespmem:s21+$0xFFFFFEF0];
	_ =	sdelay $0x4  }
0x27: {  	v0 =	vpack.i.f32.bf16 v46, v0  }
0x28: {  	[tilespmem:s22+$0xBEC0] =	vst v0  }
0x29: {  	v0 =	vld [tilespmem:s21+$0xFFFFFF00]  }
0x2a: {  	v47 =	vld [tilespmem:s21+$0xFFFFFF10];
	_ =	sdelay $0x4  }
0x2b: {  	v0 =	vpack.i.f32.bf16 v47, v0  }
0x2c: {  	[tilespmem:s22+$0xBED0] =	vst v0  }
0x2d: {  	v0 =	vld [tilespmem:s21+$0xFFFFFF20]  }
0x2e: {  	v48 =	vld [tilespmem:s21+$0xFFFFFF30];
	_ =	sdelay $0x4  }
0x2f: {  	v0 =	vpack.i.f32.bf16 v48, v0  }
0x30: {  	[tilespmem:s22+$0xBEE0] =	vst v0  }
0x31: {  	v0 =	vld [tilespmem:s21+$0xFFFFFF40]  }
0x32: {  	v49 =	vld [tilespmem:s21+$0xFFFFFF50];
	_ =	sdelay $0x4  }
0x33: {  	v0 =	vpack.i.f32.bf16 v49, v0  }
0x34: {  	[tilespmem:s22+$0xBEF0] =	vst v0  }
0x35: {  	v0 =	vld [tilespmem:s21+$0xFFFFFF60]  }
0x36: {  	v50 =	vld [tilespmem:s21+$0xFFFFFF70];
	_ =	sdelay $0x4  }
0x37: {  	v0 =	vpack.i.f32.bf16 v50, v0  }
0x38: {  	[tilespmem:s22+$0xBF00] =	vst v0  }
0x39: {  	v0 =	vld [tilespmem:s21+$0xFFFFFF80]  }
0x3a: {  	v51 =	vld [tilespmem:s21+$0xFFFFFF90];
	_ =	sdelay $0x4  }
0x3b: {  	v0 =	vpack.i.f32.bf16 v51, v0  }
0x3c: {  	[tilespmem:s22+$0xBF10] =	vst v0  }
0x3d: {  	v0 =	vld [tilespmem:s21+$0xFFFFFFA0]  }
0x3e: {  	v52 =	vld [tilespmem:s21+$0xFFFFFFB0];
	_ =	sdelay $0x4  }
0x3f: {  	v0 =	vpack.i.f32.bf16 v52, v0  }
0x40: {  	[tilespmem:s22+$0xBF20] =	vst v0  }
0x41: {  	v0 =	vld [tilespmem:s21+$0xFFFFFFC0]  }
0x42: {  	v53 =	vld [tilespmem:s21+$0xFFFFFFD0];
	_ =	sdelay $0x4  }
0x43: {  	v0 =	vpack.i.f32.bf16 v53, v0  }
0x44: {  	[tilespmem:s22+$0xBF30] =	vst v0  }
0x45: {  	v0 =	vld [tilespmem:s21+$0xFFFFFFE0]  }
0x46: {  	v54 =	vld [tilespmem:s21+$0xFFFFFFF0];
	_ =	sdelay $0x4  }
0x47: {  	v0 =	vpack.i.f32.bf16 v54, v0  }
0x48: {  	[tilespmem:s22+$0xBF40] =	vst v0  }
0x49: {  	v0 =	vld [tilespmem:s21+$0x0]  }
0x4a: {  	v55 =	vld [tilespmem:s21+$0x10];
	_ =	sdelay $0x4  }
0x4b: {  	v0 =	vpack.i.f32.bf16 v55, v0  }
0x4c: {  	[tilespmem:s22+$0xBF50] =	vst v0  }
0x4d: {  	v0 =	vld [tilespmem:s21+$0x20]  }
0x4e: {  	v56 =	vld [tilespmem:s21+$0x30];
	_ =	sdelay $0x4  }
0x4f: {  	v0 =	vpack.i.f32.bf16 v56, v0  }
0x50: {  	[tilespmem:s22+$0xBF60] =	vst v0  }
0x51: {  	v0 =	vld [tilespmem:s21+$0x40]  }
0x52: {  	v57 =	vld [tilespmem:s21+$0x50];
	_ =	sdelay $0x4  }
0x53: {  	v0 =	vpack.i.f32.bf16 v57, v0  }
0x54: {  	[tilespmem:s22+$0xBF70] =	vst v0  }
0x55: {  	v0 =	vld [tilespmem:s21+$0x60]  }
0x56: {  	v58 =	vld [tilespmem:s21+$0x70];
	_ =	sdelay $0x4  }
0x57: {  	v0 =	vpack.i.f32.bf16 v58, v0  }
0x58: {  	[tilespmem:s22+$0xBF80] =	vst v0  }
0x59: {  	v0 =	vld [tilespmem:s21+$0x80]  }
0x5a: {  	v59 =	vld [tilespmem:s21+$0x90];
	_ =	sdelay $0x4  }
0x5b: {  	v0 =	vpack.i.f32.bf16 v59, v0  }
0x5c: {  	[tilespmem:s22+$0xBF90] =	vst v0  }
0x5d: {  	v0 =	vld [tilespmem:s21+$0xA0]  }
0x5e: {  	v60 =	vld [tilespmem:s21+$0xB0];
	_ =	sdelay $0x4  }
0x5f: {  	v0 =	vpack.i.f32.bf16 v60, v0  }
0x60: {  	[tilespmem:s22+$0xBFA0] =	vst v0  }
0x61: {  	v0 =	vld [tilespmem:s21+$0xC0]  }
0x62: {  	v61 =	vld [tilespmem:s21+$0xD0];
	_ =	sdelay $0x4  }
0x63: {  	v0 =	vpack.i.f32.bf16 v61, v0  }
0x64: {  	[tilespmem:s22+$0xBFB0] =	vst v0  }
0x65: {  	v0 =	vld [tilespmem:s21+$0xE0]  }
0x66: {  	v62 =	vld [tilespmem:s21+$0xF0];
	_ =	sdelay $0x4  }
0x67: {  	v0 =	vpack.i.f32.bf16 v62, v0  }
0x68: {  	[tilespmem:s22+$0xBFC0] =	vst v0  }
0x69: {  	v0 =	vld [tilespmem:s21+$0x100]  }
0x6a: {  	v63 =	vld [tilespmem:s21+$0x110];
	_ =	sdelay $0x4  }
0x6b: {  	v0 =	vpack.i.f32.bf16 v63, v0  }
0x6c: {  	s23 =	simm.s32 $0xBC0;
	s24 =	simm.s32 $0x180;
	[tilespmem:s22+$0xBFD0] =	vst v0  }
.LBB2_3:
0x6d: {  	p1 =	sne.s32 s23, $0xBFC0  }
0x6e: {  	v0 =	vld [tilespmem:s21+$0x120];
	s24 =	sadd.s32 $0x300, s24;
	s25 =	smov.u32 s23;
	s23 =	sadd.s32 $0x600, s23  }
0x6f: {  	v1 =	vld [tilespmem:s21+$0x130];
	_ =	sdelay $0x4  }
0x70: {  	v0 =	vpack.i.f32.bf16 v1, v0  }
0x71: {  	[tilespmem:s22+$0xBFE0] =	vst v0  }
0x72: {  	v0 =	vld [tilespmem:s21+$0x140]  }
0x73: {  	v1 =	vld [tilespmem:s21+$0x150];
	_ =	sdelay $0x4  }
0x74: {  	v0 =	vpack.i.f32.bf16 v1, v0  }
0x75: {  	[tilespmem:s22+$0xBFF0] =	vst v0  }
0x76: {  	v0 =	vld [tilespmem:s21+$0x160]  }
0x77: {  	v1 =	vld [tilespmem:s21+$0x170];
	s21 =	smov.u32 s24;
	_ =	sdelay $0x4  }
0x78: {  	v0 =	vpack.i.f32.bf16 v1, v0  }
0x79: {  	[tilespmem:s22+$0xC000] =	vst v0  }
0x7a: {  	v0 =	vld [tilespmem:s24+$0xFFFFFE80]  }
0x7b: {  	v1 =	vld [tilespmem:s24+$0xFFFFFE90];
	_ =	sdelay $0x4  }
0x7c: {  	s22 =	sshra.s32 s25, $0x2;
	v0 =	vpack.i.f32.bf16 v1, v0  }
0x7d: {  	[tilespmem:s22+$0xBE90] =	vst v0  }
0x7e: {  	v0 =	vld [tilespmem:s24+$0xFFFFFEA0]  }
0x7f: {  	v1 =	vld [tilespmem:s24+$0xFFFFFEB0];
	_ =	sdelay $0x4  }
0x80: {  	v0 =	vpack.i.f32.bf16 v1, v0  }
0x81: {  	[tilespmem:s22+$0xBEA0] =	vst v0  }
0x82: {  	v0 =	vld [tilespmem:s24+$0xFFFFFEC0]  }
0x83: {  	v1 =	vld [tilespmem:s24+$0xFFFFFED0];
	_ =	sdelay $0x4  }
0x84: {  	v0 =	vpack.i.f32.bf16 v1, v0  }
0x85: {  	[tilespmem:s22+$0xBEB0] =	vst v0  }
0x86: {  	v0 =	vld [tilespmem:s24+$0xFFFFFEE0]  }
0x87: {  	v1 =	vld [tilespmem:s24+$0xFFFFFEF0];
	_ =	sdelay $0x4  }
0x88: {  	v0 =	vpack.i.f32.bf16 v1, v0  }
0x89: {  	[tilespmem:s22+$0xBEC0] =	vst v0  }
0x8a: {  	v0 =	vld [tilespmem:s24+$0xFFFFFF00]  }
0x8b: {  	v1 =	vld [tilespmem:s24+$0xFFFFFF10];
	_ =	sdelay $0x4  }
0x8c: {  	v0 =	vpack.i.f32.bf16 v1, v0  }
0x8d: {  	[tilespmem:s22+$0xBED0] =	vst v0  }
0x8e: {  	v0 =	vld [tilespmem:s24+$0xFFFFFF20]  }
0x8f: {  	v1 =	vld [tilespmem:s24+$0xFFFFFF30];
	_ =	sdelay $0x4  }
0x90: {  	v0 =	vpack.i.f32.bf16 v1, v0  }
0x91: {  	[tilespmem:s22+$0xBEE0] =	vst v0  }
0x92: {  	v0 =	vld [tilespmem:s24+$0xFFFFFF40]  }
0x93: {  	v1 =	vld [tilespmem:s24+$0xFFFFFF50];
	_ =	sdelay $0x4  }
0x94: {  	v0 =	vpack.i.f32.bf16 v1, v0  }
0x95: {  	[tilespmem:s22+$0xBEF0] =	vst v0  }
0x96: {  	v0 =	vld [tilespmem:s24+$0xFFFFFF60]  }
0x97: {  	v1 =	vld [tilespmem:s24+$0xFFFFFF70];
	_ =	sdelay $0x4  }
0x98: {  	v0 =	vpack.i.f32.bf16 v1, v0  }
0x99: {  	[tilespmem:s22+$0xBF00] =	vst v0  }
0x9a: {  	v0 =	vld [tilespmem:s24+$0xFFFFFF80]  }
0x9b: {  	v1 =	vld [tilespmem:s24+$0xFFFFFF90];
	_ =	sdelay $0x4  }
0x9c: {  	v0 =	vpack.i.f32.bf16 v1, v0  }
0x9d: {  	[tilespmem:s22+$0xBF10] =	vst v0  }
0x9e: {  	v0 =	vld [tilespmem:s24+$0xFFFFFFA0]  }
0x9f: {  	v1 =	vld [tilespmem:s24+$0xFFFFFFB0];
	_ =	sdelay $0x4  }
0xa0: {  	v0 =	vpack.i.f32.bf16 v1, v0  }
0xa1: {  	[tilespmem:s22+$0xBF20] =	vst v0  }
0xa2: {  	v0 =	vld [tilespmem:s24+$0xFFFFFFC0]  }
0xa3: {  	v1 =	vld [tilespmem:s24+$0xFFFFFFD0];
	_ =	sdelay $0x4  }
0xa4: {  	v0 =	vpack.i.f32.bf16 v1, v0  }
0xa5: {  	[tilespmem:s22+$0xBF30] =	vst v0  }
0xa6: {  	v0 =	vld [tilespmem:s24+$0xFFFFFFE0]  }
0xa7: {  	v1 =	vld [tilespmem:s24+$0xFFFFFFF0];
	_ =	sdelay $0x4  }
0xa8: {  	v0 =	vpack.i.f32.bf16 v1, v0  }
0xa9: {  	[tilespmem:s22+$0xBF40] =	vst v0  }
0xaa: {  	v0 =	vld [tilespmem:s24+$0x0]  }
0xab: {  	v1 =	vld [tilespmem:s24+$0x10];
	_ =	sdelay $0x4  }
0xac: {  	v0 =	vpack.i.f32.bf16 v1, v0  }
0xad: {  	[tilespmem:s22+$0xBF50] =	vst v0  }
0xae: {  	v0 =	vld [tilespmem:s24+$0x20]  }
0xaf: {  	v1 =	vld [tilespmem:s24+$0x30];
	_ =	sdelay $0x4  }
0xb0: {  	v0 =	vpack.i.f32.bf16 v1, v0  }
0xb1: {  	[tilespmem:s22+$0xBF60] =	vst v0  }
0xb2: {  	v0 =	vld [tilespmem:s24+$0x40]  }
0xb3: {  	v1 =	vld [tilespmem:s24+$0x50];
	_ =	sdelay $0x4  }
0xb4: {  	v0 =	vpack.i.f32.bf16 v1, v0  }
0xb5: {  	[tilespmem:s22+$0xBF70] =	vst v0  }
0xb6: {  	v0 =	vld [tilespmem:s24+$0x60]  }
0xb7: {  	v1 =	vld [tilespmem:s24+$0x70];
	_ =	sdelay $0x4  }
0xb8: {  	v0 =	vpack.i.f32.bf16 v1, v0  }
0xb9: {  	[tilespmem:s22+$0xBF80] =	vst v0  }
0xba: {  	v0 =	vld [tilespmem:s24+$0x80]  }
0xbb: {  	v1 =	vld [tilespmem:s24+$0x90];
	_ =	sdelay $0x4  }
0xbc: {  	v0 =	vpack.i.f32.bf16 v1, v0  }
0xbd: {  	[tilespmem:s22+$0xBF90] =	vst v0  }
0xbe: {  	v0 =	vld [tilespmem:s24+$0xA0]  }
0xbf: {  	v1 =	vld [tilespmem:s24+$0xB0];
	_ =	sdelay $0x4  }
0xc0: {  	v0 =	vpack.i.f32.bf16 v1, v0  }
0xc1: {  	[tilespmem:s22+$0xBFA0] =	vst v0  }
0xc2: {  	v0 =	vld [tilespmem:s24+$0xC0]  }
0xc3: {  	v1 =	vld [tilespmem:s24+$0xD0];
	_ =	sdelay $0x4  }
0xc4: {  	v0 =	vpack.i.f32.bf16 v1, v0  }
0xc5: {  	[tilespmem:s22+$0xBFB0] =	vst v0  }
0xc6: {  	v0 =	vld [tilespmem:s24+$0xE0]  }
0xc7: {  	v1 =	vld [tilespmem:s24+$0xF0];
	_ =	sdelay $0x4  }
0xc8: {  	v0 =	vpack.i.f32.bf16 v1, v0  }
0xc9: {  	[tilespmem:s22+$0xBFC0] =	vst v0  }
0xca: {  	v0 =	vld [tilespmem:s24+$0x100]  }
0xcb: {  	v1 =	vld [tilespmem:s24+$0x110];
	_ =	sdelay $0x1  }
.Ltmp0:
0xcc: {  	(pc) =	sbr.rel @p1 .LBB2_3-.Ltmp0, $3  }
0xcd: {  	_ =	sdelay $0x1  }
0xce: {  	v0 =	vpack.i.f32.bf16 v1, v0  }
0xcf: {  	[tilespmem:s22+$0xBFD0] =	vst v0  }
0xd0: {  	v0 =	vld [tilespmem:s21+$0x120]  }
0xd1: {  	v1 =	vld [tilespmem:s21+$0x130];
	_ =	sdelay $0x4  }
0xd2: {  	v0 =	vpack.i.f32.bf16 v1, v0  }
0xd3: {  	[tilespmem:s22+$0xBFE0] =	vst v0  }
0xd4: {  	v0 =	vld [tilespmem:s21+$0x140]  }
0xd5: {  	v62 =	vld [tilespmem:s21+$0x150];
	_ =	sdelay $0x4  }
0xd6: {  	v0 =	vpack.i.f32.bf16 v62, v0  }
0xd7: {  	[tilespmem:s22+$0xBFF0] =	vst v0  }
0xd8: {  	v0 =	vld [tilespmem:s21+$0x160]  }
0xd9: {  	v63 =	vld [tilespmem:s21+$0x170];
	_ =	sdelay $0x1  }
0xda: {  	p1 =	sne.s32 s18, $0xE  }
.Ltmp1:
0xdb: {  	s31 =	sadd.s32 s3, s20;
	(pc) =	sbr.rel @p1 .LBB2_6-.Ltmp1, $4  }
0xdc: {  	s21 =	smul.u32 $0x30, s31  }
0xdd: {  	v0 =	vpack.i.f32.bf16 v63, v0  }
0xde: {  	s21 =	sadd.s32 s5, s21;
	[tilespmem:s22+$0xC000] =	vst v0  }
0xdf: {  	[hbm4b:s21+s2] =	stream.linear.scatter [tilespmem:s12], [sflag:$0x3], $0x3000, $0x38;
	[tilespmem:$0x12000] =	vst v63  }
.Ltmp2:
0xe0: {  	(pc) =	sbr.rel .LBB2_7-.Ltmp2, $4  }
0xe1: {  	_ = 	snop  }
0xe2: {  	_ =	swait.ge [sflag:s13], $0x6000  }
0xe3: {  	[sflag:s13] =	ssyncset.done $0x0  }
0xe4: {  	[sflag:s13] =	ssyncadd.s32 $0xFFFFA000  }
.LBB2_6:
0xe5: {  	s20 =	sadd.s32 s20, s8  }
0xe6: {  	s20 =	smin.u32 s20, $0x771A  }
0xe7: {  	s20 =	smul.u32 $0x60, s20;
	_ =	sdelay $0x1  }
.Ltmp3:
0xe8: {  	s20 =	sadd.s32 s4, s20;
	(pc) =	sbr.rel @p0 .LBB2_8-.Ltmp3, $4  }
0xe9: {  	[tilespmem:s2], [sflag:$0x1] =	stream.linear.gather [hbm4b:s20+s2], $0x6000, $0x38;
	[tilespmem:$0x12000] =	vst v63  }
0xea: {  	_ =	swait.ge [sflag:s13], $0x6000  }
0xeb: {  	[sflag:s13] =	ssyncset.done $0x0  }
0xec: {  	[sflag:s13] =	ssyncadd.s32 $0xFFFFA000  }
.LBB2_7:
0xed: {  	_ =	swait.ge [sflag:s14], $0x3000  }
0xee: {  	[sflag:s14] =	ssyncset.done $0x0  }
0xef: {  	[sflag:s14] =	ssyncadd.s32 $0xFFFFD000  }
.LBB2_8:
0xf0: {  	s20 =	simm.s32 $0x6180  }
0xf1: {  	v0 =	vld [tilespmem:s20+$0xFFFFFE80]  }
0xf2: {  	v1 =	vld [tilespmem:s20+$0xFFFFFE90];
	_ =	sdelay $0x4  }
0xf3: {  	s21 =	simm.s32 $0x170;
	v0 =	vpack.i.f32.bf16 v1, v0  }
0xf4: {  	[tilespmem:s21+$0xEE90] =	vst v0  }
0xf5: {  	v0 =	vld [tilespmem:s20+$0xFFFFFEA0]  }
0xf6: {  	v44 =	vld [tilespmem:s20+$0xFFFFFEB0];
	_ =	sdelay $0x4  }
0xf7: {  	v0 =	vpack.i.f32.bf16 v44, v0  }
0xf8: {  	[tilespmem:s21+$0xEEA0] =	vst v0  }
0xf9: {  	v0 =	vld [tilespmem:s20+$0xFFFFFEC0]  }
0xfa: {  	v45 =	vld [tilespmem:s20+$0xFFFFFED0];
	_ =	sdelay $0x4  }
0xfb: {  	v0 =	vpack.i.f32.bf16 v45, v0  }
0xfc: {  	[tilespmem:s21+$0xEEB0] =	vst v0  }
0xfd: {  	v0 =	vld [tilespmem:s20+$0xFFFFFEE0]  }
0xfe: {  	v46 =	vld [tilespmem:s20+$0xFFFFFEF0];
	_ =	sdelay $0x4  }
0xff: {  	v0 =	vpack.i.f32.bf16 v46, v0  }
0x100: {  	[tilespmem:s21+$0xEEC0] =	vst v0  }
0x101: {  	v0 =	vld [tilespmem:s20+$0xFFFFFF00]  }
0x102: {  	v47 =	vld [tilespmem:s20+$0xFFFFFF10];
	_ =	sdelay $0x4  }
0x103: {  	v0 =	vpack.i.f32.bf16 v47, v0  }
0x104: {  	[tilespmem:s21+$0xEED0] =	vst v0  }
0x105: {  	v0 =	vld [tilespmem:s20+$0xFFFFFF20]  }
0x106: {  	v48 =	vld [tilespmem:s20+$0xFFFFFF30];
	_ =	sdelay $0x4  }
0x107: {  	v0 =	vpack.i.f32.bf16 v48, v0  }
0x108: {  	[tilespmem:s21+$0xEEE0] =	vst v0  }
0x109: {  	v0 =	vld [tilespmem:s20+$0xFFFFFF40]  }
0x10a: {  	v49 =	vld [tilespmem:s20+$0xFFFFFF50];
	_ =	sdelay $0x4  }
0x10b: {  	v0 =	vpack.i.f32.bf16 v49, v0  }
0x10c: {  	[tilespmem:s21+$0xEEF0] =	vst v0  }
0x10d: {  	v0 =	vld [tilespmem:s20+$0xFFFFFF60]  }
0x10e: {  	v50 =	vld [tilespmem:s20+$0xFFFFFF70];
	_ =	sdelay $0x4  }
0x10f: {  	v0 =	vpack.i.f32.bf16 v50, v0  }
0x110: {  	[tilespmem:s21+$0xEF00] =	vst v0  }
0x111: {  	v0 =	vld [tilespmem:s20+$0xFFFFFF80]  }
0x112: {  	v51 =	vld [tilespmem:s20+$0xFFFFFF90];
	_ =	sdelay $0x4  }
0x113: {  	v0 =	vpack.i.f32.bf16 v51, v0  }
0x114: {  	[tilespmem:s21+$0xEF10] =	vst v0  }
0x115: {  	v0 =	vld [tilespmem:s20+$0xFFFFFFA0]  }
0x116: {  	v52 =	vld [tilespmem:s20+$0xFFFFFFB0];
	_ =	sdelay $0x4  }
0x117: {  	v0 =	vpack.i.f32.bf16 v52, v0  }
0x118: {  	[tilespmem:s21+$0xEF20] =	vst v0  }
0x119: {  	v0 =	vld [tilespmem:s20+$0xFFFFFFC0]  }
0x11a: {  	v53 =	vld [tilespmem:s20+$0xFFFFFFD0];
	_ =	sdelay $0x4  }
0x11b: {  	v0 =	vpack.i.f32.bf16 v53, v0  }
0x11c: {  	[tilespmem:s21+$0xEF30] =	vst v0  }
0x11d: {  	v0 =	vld [tilespmem:s20+$0xFFFFFFE0]  }
0x11e: {  	v54 =	vld [tilespmem:s20+$0xFFFFFFF0];
	_ =	sdelay $0x4  }
0x11f: {  	v0 =	vpack.i.f32.bf16 v54, v0  }
0x120: {  	[tilespmem:s21+$0xEF40] =	vst v0  }
0x121: {  	v0 =	vld [tilespmem:s20+$0x0]  }
0x122: {  	v55 =	vld [tilespmem:s20+$0x10];
	_ =	sdelay $0x4  }
0x123: {  	v0 =	vpack.i.f32.bf16 v55, v0  }
0x124: {  	[tilespmem:s21+$0xEF50] =	vst v0  }
0x125: {  	v0 =	vld [tilespmem:s20+$0x20]  }
0x126: {  	v56 =	vld [tilespmem:s20+$0x30];
	_ =	sdelay $0x4  }
0x127: {  	v0 =	vpack.i.f32.bf16 v56, v0  }
0x128: {  	[tilespmem:s21+$0xEF60] =	vst v0  }
0x129: {  	v0 =	vld [tilespmem:s20+$0x40]  }
0x12a: {  	v57 =	vld [tilespmem:s20+$0x50];
	_ =	sdelay $0x4  }
0x12b: {  	v0 =	vpack.i.f32.bf16 v57, v0  }
0x12c: {  	[tilespmem:s21+$0xEF70] =	vst v0  }
0x12d: {  	v0 =	vld [tilespmem:s20+$0x60]  }
0x12e: {  	v58 =	vld [tilespmem:s20+$0x70];
	_ =	sdelay $0x4  }
0x12f: {  	v0 =	vpack.i.f32.bf16 v58, v0  }
0x130: {  	[tilespmem:s21+$0xEF80] =	vst v0  }
0x131: {  	v0 =	vld [tilespmem:s20+$0x80]  }
0x132: {  	v59 =	vld [tilespmem:s20+$0x90];
	_ =	sdelay $0x4  }
0x133: {  	v0 =	vpack.i.f32.bf16 v59, v0  }
0x134: {  	[tilespmem:s21+$0xEF90] =	vst v0  }
0x135: {  	v0 =	vld [tilespmem:s20+$0xA0]  }
0x136: {  	v60 =	vld [tilespmem:s20+$0xB0];
	_ =	sdelay $0x4  }
0x137: {  	v0 =	vpack.i.f32.bf16 v60, v0  }
0x138: {  	[tilespmem:s21+$0xEFA0] =	vst v0  }
0x139: {  	v0 =	vld [tilespmem:s20+$0xC0]  }
0x13a: {  	v61 =	vld [tilespmem:s20+$0xD0];
	_ =	sdelay $0x4  }
0x13b: {  	v0 =	vpack.i.f32.bf16 v61, v0  }
0x13c: {  	[tilespmem:s21+$0xEFB0] =	vst v0  }
0x13d: {  	v0 =	vld [tilespmem:s20+$0xE0]  }
0x13e: {  	v62 =	vld [tilespmem:s20+$0xF0];
	_ =	sdelay $0x4  }
0x13f: {  	v0 =	vpack.i.f32.bf16 v62, v0  }
0x140: {  	[tilespmem:s21+$0xEFC0] =	vst v0  }
0x141: {  	v0 =	vld [tilespmem:s20+$0x100]  }
0x142: {  	v63 =	vld [tilespmem:s20+$0x110];
	_ =	sdelay $0x4  }
0x143: {  	v0 =	vpack.i.f32.bf16 v63, v0  }
0x144: {  	s22 =	simm.s32 $0xBC0;
	s23 =	simm.s32 $0x6180;
	[tilespmem:s21+$0xEFD0] =	vst v0  }
.LBB2_9:
0x145: {  	p0 =	sne.s32 s22, $0xBFC0  }
0x146: {  	v0 =	vld [tilespmem:s20+$0x120];
	s23 =	sadd.s32 $0x300, s23;
	s24 =	smov.u32 s22;
	s22 =	sadd.s32 $0x600, s22  }
0x147: {  	v1 =	vld [tilespmem:s20+$0x130];
	_ =	sdelay $0x4  }
0x148: {  	v0 =	vpack.i.f32.bf16 v1, v0  }
0x149: {  	[tilespmem:s21+$0xEFE0] =	vst v0  }
0x14a: {  	v0 =	vld [tilespmem:s20+$0x140]  }
0x14b: {  	v1 =	vld [tilespmem:s20+$0x150];
	_ =	sdelay $0x4  }
0x14c: {  	v0 =	vpack.i.f32.bf16 v1, v0  }
0x14d: {  	[tilespmem:s21+$0xEFF0] =	vst v0  }
0x14e: {  	v0 =	vld [tilespmem:s20+$0x160]  }
0x14f: {  	v1 =	vld [tilespmem:s20+$0x170];
	s20 =	smov.u32 s23;
	_ =	sdelay $0x4  }
0x150: {  	v0 =	vpack.i.f32.bf16 v1, v0  }
0x151: {  	[tilespmem:s21+$0xF000] =	vst v0  }
0x152: {  	v0 =	vld [tilespmem:s23+$0xFFFFFE80]  }
0x153: {  	v1 =	vld [tilespmem:s23+$0xFFFFFE90];
	_ =	sdelay $0x4  }
0x154: {  	s21 =	sshra.s32 s24, $0x2;
	v0 =	vpack.i.f32.bf16 v1, v0  }
0x155: {  	[tilespmem:s21+$0xEE90] =	vst v0  }
0x156: {  	v0 =	vld [tilespmem:s23+$0xFFFFFEA0]  }
0x157: {  	v1 =	vld [tilespmem:s23+$0xFFFFFEB0];
	_ =	sdelay $0x4  }
0x158: {  	v0 =	vpack.i.f32.bf16 v1, v0  }
0x159: {  	[tilespmem:s21+$0xEEA0] =	vst v0  }
0x15a: {  	v0 =	vld [tilespmem:s23+$0xFFFFFEC0]  }
0x15b: {  	v1 =	vld [tilespmem:s23+$0xFFFFFED0];
	_ =	sdelay $0x4  }
0x15c: {  	v0 =	vpack.i.f32.bf16 v1, v0  }
0x15d: {  	[tilespmem:s21+$0xEEB0] =	vst v0  }
0x15e: {  	v0 =	vld [tilespmem:s23+$0xFFFFFEE0]  }
0x15f: {  	v1 =	vld [tilespmem:s23+$0xFFFFFEF0];
	_ =	sdelay $0x4  }
0x160: {  	v0 =	vpack.i.f32.bf16 v1, v0  }
0x161: {  	[tilespmem:s21+$0xEEC0] =	vst v0  }
0x162: {  	v0 =	vld [tilespmem:s23+$0xFFFFFF00]  }
0x163: {  	v1 =	vld [tilespmem:s23+$0xFFFFFF10];
	_ =	sdelay $0x4  }
0x164: {  	v0 =	vpack.i.f32.bf16 v1, v0  }
0x165: {  	[tilespmem:s21+$0xEED0] =	vst v0  }
0x166: {  	v0 =	vld [tilespmem:s23+$0xFFFFFF20]  }
0x167: {  	v1 =	vld [tilespmem:s23+$0xFFFFFF30];
	_ =	sdelay $0x4  }
0x168: {  	v0 =	vpack.i.f32.bf16 v1, v0  }
0x169: {  	[tilespmem:s21+$0xEEE0] =	vst v0  }
0x16a: {  	v0 =	vld [tilespmem:s23+$0xFFFFFF40]  }
0x16b: {  	v1 =	vld [tilespmem:s23+$0xFFFFFF50];
	_ =	sdelay $0x4  }
0x16c: {  	v0 =	vpack.i.f32.bf16 v1, v0  }
0x16d: {  	[tilespmem:s21+$0xEEF0] =	vst v0  }
0x16e: {  	v0 =	vld [tilespmem:s23+$0xFFFFFF60]  }
0x16f: {  	v1 =	vld [tilespmem:s23+$0xFFFFFF70];
	_ =	sdelay $0x4  }
0x170: {  	v0 =	vpack.i.f32.bf16 v1, v0  }
0x171: {  	[tilespmem:s21+$0xEF00] =	vst v0  }
0x172: {  	v0 =	vld [tilespmem:s23+$0xFFFFFF80]  }
0x173: {  	v1 =	vld [tilespmem:s23+$0xFFFFFF90];
	_ =	sdelay $0x4  }
0x174: {  	v0 =	vpack.i.f32.bf16 v1, v0  }
0x175: {  	[tilespmem:s21+$0xEF10] =	vst v0  }
0x176: {  	v0 =	vld [tilespmem:s23+$0xFFFFFFA0]  }
0x177: {  	v1 =	vld [tilespmem:s23+$0xFFFFFFB0];
	_ =	sdelay $0x4  }
0x178: {  	v0 =	vpack.i.f32.bf16 v1, v0  }
0x179: {  	[tilespmem:s21+$0xEF20] =	vst v0  }
0x17a: {  	v0 =	vld [tilespmem:s23+$0xFFFFFFC0]  }
0x17b: {  	v1 =	vld [tilespmem:s23+$0xFFFFFFD0];
	_ =	sdelay $0x4  }
0x17c: {  	v0 =	vpack.i.f32.bf16 v1, v0  }
0x17d: {  	[tilespmem:s21+$0xEF30] =	vst v0  }
0x17e: {  	v0 =	vld [tilespmem:s23+$0xFFFFFFE0]  }
0x17f: {  	v1 =	vld [tilespmem:s23+$0xFFFFFFF0];
	_ =	sdelay $0x4  }
0x180: {  	v0 =	vpack.i.f32.bf16 v1, v0  }
0x181: {  	[tilespmem:s21+$0xEF40] =	vst v0  }
0x182: {  	v0 =	vld [tilespmem:s23+$0x0]  }
0x183: {  	v1 =	vld [tilespmem:s23+$0x10];
	_ =	sdelay $0x4  }
0x184: {  	v0 =	vpack.i.f32.bf16 v1, v0  }
0x185: {  	[tilespmem:s21+$0xEF50] =	vst v0  }
0x186: {  	v0 =	vld [tilespmem:s23+$0x20]  }
0x187: {  	v1 =	vld [tilespmem:s23+$0x30];
	_ =	sdelay $0x4  }
0x188: {  	v0 =	vpack.i.f32.bf16 v1, v0  }
0x189: {  	[tilespmem:s21+$0xEF60] =	vst v0  }
0x18a: {  	v0 =	vld [tilespmem:s23+$0x40]  }
0x18b: {  	v1 =	vld [tilespmem:s23+$0x50];
	_ =	sdelay $0x4  }
0x18c: {  	v0 =	vpack.i.f32.bf16 v1, v0  }
0x18d: {  	[tilespmem:s21+$0xEF70] =	vst v0  }
0x18e: {  	v0 =	vld [tilespmem:s23+$0x60]  }
0x18f: {  	v1 =	vld [tilespmem:s23+$0x70];
	_ =	sdelay $0x4  }
0x190: {  	v0 =	vpack.i.f32.bf16 v1, v0  }
0x191: {  	[tilespmem:s21+$0xEF80] =	vst v0  }
0x192: {  	v0 =	vld [tilespmem:s23+$0x80]  }
0x193: {  	v1 =	vld [tilespmem:s23+$0x90];
	_ =	sdelay $0x4  }
0x194: {  	v0 =	vpack.i.f32.bf16 v1, v0  }
0x195: {  	[tilespmem:s21+$0xEF90] =	vst v0  }
0x196: {  	v0 =	vld [tilespmem:s23+$0xA0]  }
0x197: {  	v1 =	vld [tilespmem:s23+$0xB0];
	_ =	sdelay $0x4  }
0x198: {  	v0 =	vpack.i.f32.bf16 v1, v0  }
0x199: {  	[tilespmem:s21+$0xEFA0] =	vst v0  }
0x19a: {  	v0 =	vld [tilespmem:s23+$0xC0]  }
0x19b: {  	v1 =	vld [tilespmem:s23+$0xD0];
	_ =	sdelay $0x4  }
0x19c: {  	v0 =	vpack.i.f32.bf16 v1, v0  }
0x19d: {  	[tilespmem:s21+$0xEFB0] =	vst v0  }
0x19e: {  	v0 =	vld [tilespmem:s23+$0xE0]  }
0x19f: {  	v1 =	vld [tilespmem:s23+$0xF0];
	_ =	sdelay $0x4  }
0x1a0: {  	v0 =	vpack.i.f32.bf16 v1, v0  }
0x1a1: {  	[tilespmem:s21+$0xEFC0] =	vst v0  }
0x1a2: {  	v0 =	vld [tilespmem:s23+$0x100]  }
0x1a3: {  	v1 =	vld [tilespmem:s23+$0x110];
	_ =	sdelay $0x1  }
.Ltmp4:
0x1a4: {  	(pc) =	sbr.rel @p0 .LBB2_9-.Ltmp4, $3  }
0x1a5: {  	_ =	sdelay $0x1  }
0x1a6: {  	v0 =	vpack.i.f32.bf16 v1, v0  }
0x1a7: {  	[tilespmem:s21+$0xEFD0] =	vst v0  }
0x1a8: {  	v0 =	vld [tilespmem:s20+$0x120]  }
0x1a9: {  	v1 =	vld [tilespmem:s20+$0x130];
	_ =	sdelay $0x4  }
0x1aa: {  	v0 =	vpack.i.f32.bf16 v1, v0  }
0x1ab: {  	[tilespmem:s21+$0xEFE0] =	vst v0  }
0x1ac: {  	v0 =	vld [tilespmem:s20+$0x140]  }
0x1ad: {  	v62 =	vld [tilespmem:s20+$0x150];
	_ =	sdelay $0x4  }
0x1ae: {  	v0 =	vpack.i.f32.bf16 v62, v0  }
0x1af: {  	[tilespmem:s21+$0xEFF0] =	vst v0  }
0x1b0: {  	v0 =	vld [tilespmem:s20+$0x160]  }
0x1b1: {  	v63 =	vld [tilespmem:s20+$0x170]  }
0x1b2: {  	s18 =	sadd.s32 $0x1, s18  }
0x1b3: {  	p0 =	sne.s32 s18, $0xF  }
.Ltmp5:
0x1b4: {  	_ = 	snop;
	(pc) =	sbr.rel @p0 .LBB2_2-.Ltmp5, $4  }
0x1b5: {  	s19 =	smul.u32 $0x30, s19  }
0x1b6: {  	v0 =	vpack.i.f32.bf16 v63, v0  }
0x1b7: {  	s19 =	sadd.s32 s5, s19;
	[tilespmem:s21+$0xF000] =	vst v0  }
0x1b8: {  	[hbm4b:s19+s2] =	stream.linear.scatter [tilespmem:s15], [sflag:$0x4], $0x3000, $0x38;
	[tilespmem:$0x12000] =	vst v63  }
0x1b9: {  	s17 =	sadd.s32 $0x1, s17  }
0x1ba: {  	_ =	swait.ge [sflag:s16], $0x3000;
	p0 =	sne.s32 s17, s9  }
.Ltmp6:
0x1bb: {  	[sflag:s16] =	ssyncset.done $0x0;
	(pc) =	sbr.rel @p0 .LBB2_1-.Ltmp6, $4  }
0x1bc: {  	[sflag:s16] =	ssyncadd.s32 $0xFFFFD000  }
0x1bd: {  	_ =	swait.ge [sflag:s14], $0x3000  }
0x1be: {  	[sflag:s14] =	ssyncset.done $0x0  }
0x1bf: {  	[sflag:s14] =	ssyncadd.s32 $0xFFFFD000  }
0x1c0: {  	_ =	sfence.sel $0x180000  }
0x1c1: {  	[bflag:$0x0] =	sbarrier.arrive $0xFFFF  }
0x1c2: {  	p0 =	sne.s32 s0, $0x0;
	_ =	strace $0x90000047  }
0x1c3: {  	s0 =	sadd.s32 @!p0 $0x100000, s1;
	[bflag:$0x2] =	sbarrier.arrive $0xFFFF  }
0x1c4: {  	[sflag:s0] =	ssyncadd.tile.s32 @!p0 $0x1;
	_ =	shalt  }
.Lfunc_end2:
_tile_overlayer_lowered:
.L_overlay_start_2:
0x1c5: {  	(tag) =	ssettag $0x2  }
0x1c6: {  	s0 =	rddreg [dreg:$0x0];
	s2 =	stileid.u32  }
0x1c7: {  	s1 =	rddreg [dreg:$0x1];
	p0 =	sne.s32 s2, $0x0  }
0x1c8: {  	s3 =	rddreg [dreg:$0x2];
	[bflag:$0x3] =	sbarrier.arrive $0xFFFF;
	s2 =	simm.s32 @!p0 $0x1C05  }
0x1c9: {  	[timem:s3], [sflag:s2] =	dma.local @!p0 [hbm:s0], s1  }
0x1ca: {  	s0 =	simm.s32 @!p0 $0x5  }
0x1cb: {  	_ =	swait.ge @!p0 [sflag:s0], s1  }
0x1cc: {  	s1 =	ssub.s32 @!p0 $0x0, s1;
	[sflag:s0] =	ssyncset.done @!p0 $0x0  }
0x1cd: {  	[sflag:s0] =	ssyncadd.s32 @!p0 s1  }
0x1ce: {  	[bflag:$0x3] =	sbarrier.arrive $0xFFFF  }
0x1cf: {  	_ =	shalt  }

</sc_bundles>
